<compile_context>
chip_gen: v7x
topology: tpu7x:2x2x1
jax: 0.10.2.dev20260603
libtpu: 0.0.44.dev20260713+nightly
codegen_flags: <defaults>
</compile_context>

<pallas_src>
import functools

import jax
import jax.numpy as jnp
from jax import lax
from jax.experimental import pallas as pl
from jax.experimental.pallas import tpu as pltpu
from jax.experimental.pallas import tpu_sc as plsc

T = 8192
D_MODEL = 2048
N_EXPERTS = 16
TILE_T = 1024

NC = 2
NS = 16
NW = NC * NS
TPW = T // NW


def _ground_body(alpha_ref, hidden_ref, logits_ref, eg_ref, out_ref):
    sim = jax.lax.dot_general(
        hidden_ref[...], eg_ref[...], (((1,), (1,)), ((), ())),
        preferred_element_type=jnp.float32,
    )
    out_ref[...] = logits_ref[...] + alpha_ref[0, 0] * sim


def _ground(token_hidden, router_logits, expert_ground, alpha):
    alpha_arr = jnp.reshape(alpha.astype(jnp.float32), (1, 1))
    return pl.pallas_call(
        _ground_body,
        grid=(T // TILE_T,),
        in_specs=[
            pl.BlockSpec(memory_space=pltpu.SMEM),
            pl.BlockSpec((TILE_T, D_MODEL), lambda i: (i, 0)),
            pl.BlockSpec((TILE_T, N_EXPERTS), lambda i: (i, 0)),
            pl.BlockSpec((N_EXPERTS, D_MODEL), lambda i: (0, 0)),
        ],
        out_specs=pl.BlockSpec((TILE_T, N_EXPERTS), lambda i: (i, 0)),
        out_shape=jax.ShapeDtypeStruct((T, N_EXPERTS), jnp.float32),
        compiler_params=pltpu.CompilerParams(
            dimension_semantics=("parallel",),
        ),
    )(alpha_arr, token_hidden, router_logits, expert_ground)


def _take16(x, idx):
    return lax.gather(
        x,
        idx[:, None],
        dimension_numbers=lax.GatherDimensionNumbers(
            offset_dims=(), collapsed_slice_dims=(0,), start_index_map=(0,)
        ),
        slice_sizes=(1,),
        mode=lax.GatherScatterMode.PROMISE_IN_BOUNDS,
    )


@functools.partial(
    pl.kernel,
    mesh=plsc.VectorSubcoreMesh(core_axis_name="c", subcore_axis_name="s"),
    out_type=jax.ShapeDtypeStruct((T, 16), jnp.float32),
    scratch_types=[
        pltpu.VMEM((TPW, N_EXPERTS), jnp.float32),
        pltpu.VMEM((TPW, 16), jnp.float32),
    ],
)
def _sc_top2(grounded_hbm, out_hbm, g_v, out_v):
    wid = lax.axis_index("s") * NC + lax.axis_index("c")
    base = wid * TPW
    pltpu.sync_copy(grounded_hbm.at[pl.ds(base, TPW), :], g_v)

    lane = lax.iota(jnp.int32, 16)
    slot = lane % 4
    quad = lane // 4
    neg_inf = jnp.float32(-jnp.inf)

    def bfly(x, op):
        for s in (8, 4, 2, 1):
            x = op(x, _take16(x, lane ^ s))
        return x

    def pack_one(row):
        m1 = bfly(row, jnp.maximum)
        i1 = bfly(jnp.where(row == m1, lane, N_EXPERTS), jnp.minimum)
        masked = jnp.where(lane == i1, neg_inf, row)
        m2 = bfly(masked, jnp.maximum)
        i2 = bfly(jnp.where(masked == m2, lane, N_EXPERTS), jnp.minimum)
        e = jnp.exp(m2 - m1)
        r = 1.0 / (1.0 + e)
        return jnp.where(
            slot == 0,
            i1.astype(jnp.float32),
            jnp.where(
                slot == 1,
                r,
                jnp.where(slot == 2, i2.astype(jnp.float32), e * r),
            ),
        )

    def one_token(t, carry):
        out_v[t] = pack_one(g_v[t])
        return carry

    lax.fori_loop(0, TPW, one_token, None, unroll=8)

    pltpu.sync_copy(out_v, out_hbm.at[pl.ds(base, TPW), :])


@jax.jit
def _run(token_hidden, router_logits, expert_ground, alpha):
    grounded = _ground(token_hidden, router_logits, expert_ground, alpha)
    packed = _sc_top2(grounded)
    return packed[:, :4].reshape(T, 2, 2)


def kernel(token_hidden, router_logits, expert_ground, alpha):
    return _run(token_hidden, router_logits, expert_ground, alpha)

# --- scband reference (transcript-rebuilt; emitter-appended) ---
"""Pipeline reference for scband-model-66941360276337 (READ-ONLY COPY).

The authoritative reference and input builder live on the scoring server;
editing this copy changes nothing except your own understanding.
"""

import jax, jax.numpy as jnp
import numpy as np

T = 8192
D_MODEL = 2048
N_EXPERTS = 16


def setup_inputs(seed: int = 0) -> dict:
    key = jax.random.key(seed)
    k1, k2, k3 = jax.random.split(key, 3)
    token_hidden = jax.random.normal(k1, (T, D_MODEL), dtype=jnp.float32)
    router_logits = jax.random.normal(k2, (T, N_EXPERTS), dtype=jnp.float32)
    expert_ground = jax.random.normal(k3, (N_EXPERTS, D_MODEL), dtype=jnp.float32)
    alpha = jnp.float32(1.0)
    return {
        "token_hidden": token_hidden,
        "router_logits": router_logits,
        "expert_ground": expert_ground,
        "alpha": alpha,
    }


def reference(token_hidden, router_logits, expert_ground, alpha):
    # grounded router logits: bias by token-expert similarity
    grounded = router_logits + alpha * (token_hidden @ expert_ground.T)
    # top-2 expert selection
    top_vals, top_idx = jax.lax.top_k(grounded, 2)
    # normalize over the selected 2 experts
    top_weights = jax.nn.softmax(top_vals, axis=-1)
    # pack (expert_index, weight) pairs as float32, shape [T, 2, 2]
    return jnp.stack((top_idx.astype(jnp.float32), top_weights), axis=-1)

if __name__ == "__main__":
    import jax
    _d = setup_inputs()
    print(jax.jit(kernel)(*tuple(_d.values())))

</pallas_src>

<mosaic_0001>
#map = affine_map<(d0, d1) -> (0, 0)>
module attributes {stable_mosaic.version = 14 : i64} {
  func.func @_sc_top2(%arg0: i32, %arg1: i32, %arg2: memref<8192x16xf32, #tpu.memory_space<hbm>>, %arg3: memref<8192x16xf32, #tpu.memory_space<hbm>>, %arg4: memref<256x16xf32, #tpu.memory_space<vmem>>, %arg5: memref<256x16xf32, #tpu.memory_space<vmem>>) attributes {dimension_semantics = [#tpu.dimension_semantics<core_parallel>, #tpu.dimension_semantics<subcore_parallel>], iteration_bounds = array<i64: 2, 16>, scalar_prefetch = 0 : i64, scratch_operands = 2 : i64, tpu.core_type = #tpu.core_type<sc_vector_subcore>, window_params = [{transform_indices = #map}, {transform_indices = #map}]} {
    %mul3A = arith.constant 2 : i32
    %mul3A_0 = arith.muli %arg1, %mul3A : i32
    %add3A = arith.addi %mul3A_0, %arg0 : i32
    %mul3A_1 = arith.constant 256 : i32
    %mul3A_2 = arith.muli %add3A, %mul3A_1 : i32
    "tpu.region"() ({
      %run_scoped3A = tpu.sem_alloc : memref<!tpu.dma_semaphore, #tpu.memory_space<semaphore_mem>>
      %dma_start3A = arith.constant 0 : i32
      %dma_start3A_51 = tpu.memref_slice %arg2[%mul3A_2, %dma_start3A] : memref<8192x16xf32, #tpu.memory_space<hbm>> -> memref<256x16xf32, #tpu.memory_space<hbm>>
      %dma_start3A_52 = arith.constant 0 : i32
      %dma_start3A_53 = tpu.memref_slice %arg2[%mul3A_2, %dma_start3A_52] : memref<8192x16xf32, #tpu.memory_space<hbm>> -> memref<256x16xf32, #tpu.memory_space<hbm>>
      tpu.enqueue_dma source(%dma_start3A_53 : memref<256x16xf32, #tpu.memory_space<hbm>>) target(%arg4 : memref<256x16xf32, #tpu.memory_space<vmem>>) target_semaphore(%run_scoped3A : memref<!tpu.dma_semaphore, #tpu.memory_space<semaphore_mem>>)
      %dma_wait3A = arith.constant 0 : i32
      %dma_wait3A_54 = tpu.memref_slice %arg2[%mul3A_2, %dma_wait3A] : memref<8192x16xf32, #tpu.memory_space<hbm>> -> memref<256x16xf32, #tpu.memory_space<hbm>>
      %dma_wait3A_55 = arith.constant 0 : i32
      %dma_wait3A_56 = tpu.memref_slice %arg2[%mul3A_2, %dma_wait3A_55] : memref<8192x16xf32, #tpu.memory_space<hbm>> -> memref<256x16xf32, #tpu.memory_space<hbm>>
      tpu.wait_dma2 semaphore(%run_scoped3A : memref<!tpu.dma_semaphore, #tpu.memory_space<semaphore_mem>>) src(%dma_wait3A_56 : memref<256x16xf32, #tpu.memory_space<hbm>>) dst(%arg4 : memref<256x16xf32, #tpu.memory_space<vmem>>)
      tpu.yield
    }) : () -> ()
    %iota3A = tpu.iota {dimensions = array<i32: 0>} : vector<16xi32>
    %jit3A = arith.constant 4 : i32
    %eq3A = arith.constant 0 : i32
    %eq3A_3 = arith.cmpi eq, %jit3A, %eq3A : i32
    %jit3A_4 = arith.constant 1 : i32
    %select_n3A = arith.select %eq3A_3, %jit3A_4, %jit3A : i32
    %rem3A = vector.broadcast %select_n3A : i32 to vector<16xi32>
    %rem3A_5 = arith.remsi %iota3A, %rem3A : vector<16xi32>
    %ne3A = arith.constant 0 : i32
    %ne3A_6 = vector.broadcast %ne3A : i32 to vector<16xi32>
    %ne3A_7 = arith.cmpi ne, %rem3A_5, %ne3A_6 : vector<16xi32>
    %lt3A = arith.constant 0 : i32
    %lt3A_8 = vector.broadcast %lt3A : i32 to vector<16xi32>
    %lt3A_9 = arith.cmpi slt, %rem3A_5, %lt3A_8 : vector<16xi32>
    %lt3A_10 = arith.constant 0 : i32
    %lt3A_11 = arith.cmpi slt, %select_n3A, %lt3A_10 : i32
    %ne3A_12 = vector.broadcast %lt3A_11 : i1 to vector<16xi1>
    %ne3A_13 = vector.broadcast %ne3A_12 : vector<16xi1> to vector<16xi1>
    %ne3A_14 = arith.xori %lt3A_9, %ne3A_13 : vector<16xi1>
    %and3A = arith.andi %ne3A_14, %ne3A_7 : vector<16xi1>
    %add3A_15 = vector.broadcast %select_n3A : i32 to vector<16xi32>
    %add3A_16 = arith.addi %rem3A_5, %add3A_15 : vector<16xi32>
    %select_n3A_17 = arith.select %and3A, %add3A_16, %rem3A_5 : vector<16xi1>, vector<16xi32>
    %jit3A_18 = arith.constant 4 : i32
    %div3A = vector.broadcast %jit3A_18 : i32 to vector<16xi32>
    %div3A_19 = arith.divsi %iota3A, %div3A : vector<16xi32>
    %sign3A = arith.constant 0 : i32
    %sign3A_20 = vector.broadcast %sign3A : i32 to vector<16xi32>
    %sign3A_21 = arith.cmpi sgt, %iota3A, %sign3A_20 : vector<16xi32>
    %sign3A_22 = arith.extui %sign3A_21 : vector<16xi1> to vector<16xi32>
    %sign3A_23 = arith.constant 0 : i32
    %sign3A_24 = vector.broadcast %sign3A_23 : i32 to vector<16xi32>
    %sign3A_25 = arith.cmpi slt, %iota3A, %sign3A_24 : vector<16xi32>
    %sign3A_26 = arith.extui %sign3A_25 : vector<16xi1> to vector<16xi32>
    %sign3A_27 = arith.subi %sign3A_22, %sign3A_26 : vector<16xi32>
    %sign3A_28 = arith.constant 0 : i32
    %sign3A_29 = arith.cmpi sgt, %jit3A_18, %sign3A_28 : i32
    %sign3A_30 = arith.extui %sign3A_29 : i1 to i32
    %sign3A_31 = arith.constant 0 : i32
    %sign3A_32 = arith.cmpi slt, %jit3A_18, %sign3A_31 : i32
    %sign3A_33 = arith.extui %sign3A_32 : i1 to i32
    %sign3A_34 = arith.subi %sign3A_30, %sign3A_33 : i32
    %ne3A_35 = vector.broadcast %sign3A_34 : i32 to vector<16xi32>
    %ne3A_36 = arith.cmpi ne, %sign3A_27, %ne3A_35 : vector<16xi32>
    %rem3A_37 = vector.broadcast %jit3A_18 : i32 to vector<16xi32>
    %rem3A_38 = arith.remsi %iota3A, %rem3A_37 : vector<16xi32>
    %ne3A_39 = arith.constant 0 : i32
    %ne3A_40 = vector.broadcast %ne3A_39 : i32 to vector<16xi32>
    %ne3A_41 = arith.cmpi ne, %rem3A_38, %ne3A_40 : vector<16xi32>
    %and3A_42 = arith.andi %ne3A_36, %ne3A_41 : vector<16xi1>
    %sub3A = arith.constant 1 : i32
    %sub3A_43 = vector.broadcast %sub3A : i32 to vector<16xi32>
    %sub3A_44 = arith.subi %div3A_19, %sub3A_43 : vector<16xi32>
    %select_n3A_45 = arith.select %and3A_42, %sub3A_44, %div3A_19 : vector<16xi1>, vector<16xi32>
    %scan3A = arith.constant 0xFF800000 : f32
    %scan3A_46 = arith.constant 0 : i32
    %scan3A_47 = arith.constant 256 : i32
    %scan3A_48 = arith.addi %scan3A_46, %scan3A_47 : i32
    %scan3A_49 = arith.constant 8 : i32
    scf.for %scan3A_51 = %scan3A_46 to %scan3A_48 step %scan3A_49  : i32 {
      %get3A = arith.index_cast %scan3A_51 : i32 to index
      %get3A_52 = arith.constant 0 : index
      %get3A_53 = tpu.vector_load %arg4[%get3A, %get3A_52] {strides = array<i32>} : memref<256x16xf32, #tpu.memory_space<vmem>>, vector<1x16xf32>,
      %get3A_54 = vector.shape_cast %get3A_53 : vector<1x16xf32> to vector<16xf32>
      %xor3A = arith.constant 8 : i32
      %xor3A_55 = vector.broadcast %xor3A : i32 to vector<16xi32>
      %xor3A_56 = arith.xori %iota3A, %xor3A_55 : vector<16xi32>
      %broadcast_in_dim3A = vector.shape_cast %xor3A_56 : vector<16xi32> to vector<16x1xi32>
      %gather3A = vector.shape_cast %broadcast_in_dim3A : vector<16x1xi32> to vector<16xi32>
      %gather3A_57 = tpu.dynamic_gather %get3A_54[%gather3A] in [0] : vector<16xf32>, vector<16xi32> -> vector<16xf32>
      %max3A = arith.maximumf %get3A_54, %gather3A_57 : vector<16xf32>
      %xor3A_58 = arith.constant 4 : i32
      %xor3A_59 = vector.broadcast %xor3A_58 : i32 to vector<16xi32>
      %xor3A_60 = arith.xori %iota3A, %xor3A_59 : vector<16xi32>
      %broadcast_in_dim3A_61 = vector.shape_cast %xor3A_60 : vector<16xi32> to vector<16x1xi32>
      %gather3A_62 = vector.shape_cast %broadcast_in_dim3A_61 : vector<16x1xi32> to vector<16xi32>
      %gather3A_63 = tpu.dynamic_gather %max3A[%gather3A_62] in [0] : vector<16xf32>, vector<16xi32> -> vector<16xf32>
      %max3A_64 = arith.maximumf %max3A, %gather3A_63 : vector<16xf32>
      %xor3A_65 = arith.constant 2 : i32
      %xor3A_66 = vector.broadcast %xor3A_65 : i32 to vector<16xi32>
      %xor3A_67 = arith.xori %iota3A, %xor3A_66 : vector<16xi32>
      %broadcast_in_dim3A_68 = vector.shape_cast %xor3A_67 : vector<16xi32> to vector<16x1xi32>
      %gather3A_69 = vector.shape_cast %broadcast_in_dim3A_68 : vector<16x1xi32> to vector<16xi32>
      %gather3A_70 = tpu.dynamic_gather %max3A_64[%gather3A_69] in [0] : vector<16xf32>, vector<16xi32> -> vector<16xf32>
      %max3A_71 = arith.maximumf %max3A_64, %gather3A_70 : vector<16xf32>
      %xor3A_72 = arith.constant 1 : i32
      %xor3A_73 = vector.broadcast %xor3A_72 : i32 to vector<16xi32>
      %xor3A_74 = arith.xori %iota3A, %xor3A_73 : vector<16xi32>
      %broadcast_in_dim3A_75 = vector.shape_cast %xor3A_74 : vector<16xi32> to vector<16x1xi32>
      %gather3A_76 = vector.shape_cast %broadcast_in_dim3A_75 : vector<16x1xi32> to vector<16xi32>
      %gather3A_77 = tpu.dynamic_gather %max3A_71[%gather3A_76] in [0] : vector<16xf32>, vector<16xi32> -> vector<16xf32>
      %max3A_78 = arith.maximumf %max3A_71, %gather3A_77 : vector<16xf32>
      %eq3A_79 = arith.cmpf oeq, %get3A_54, %max3A_78 : vector<16xf32>
      %jit3A_80 = arith.constant 16 : i32
      %broadcast_in_dim3A_81 = vector.broadcast %jit3A_80 : i32 to vector<16xi32>
      %select_n3A_82 = arith.select %eq3A_79, %iota3A, %broadcast_in_dim3A_81 : vector<16xi1>, vector<16xi32>
      %xor3A_83 = arith.constant 8 : i32
      %xor3A_84 = vector.broadcast %xor3A_83 : i32 to vector<16xi32>
      %xor3A_85 = arith.xori %iota3A, %xor3A_84 : vector<16xi32>
      %broadcast_in_dim3A_86 = vector.shape_cast %xor3A_85 : vector<16xi32> to vector<16x1xi32>
      %gather3A_87 = vector.shape_cast %broadcast_in_dim3A_86 : vector<16x1xi32> to vector<16xi32>
      %gather3A_88 = tpu.dynamic_gather %select_n3A_82[%gather3A_87] in [0] : vector<16xi32>, vector<16xi32> -> vector<16xi32>
      %min3A = arith.minsi %select_n3A_82, %gather3A_88 : vector<16xi32>
      %xor3A_89 = arith.constant 4 : i32
      %xor3A_90 = vector.broadcast %xor3A_89 : i32 to vector<16xi32>
      %xor3A_91 = arith.xori %iota3A, %xor3A_90 : vector<16xi32>
      %broadcast_in_dim3A_92 = vector.shape_cast %xor3A_91 : vector<16xi32> to vector<16x1xi32>
      %gather3A_93 = vector.shape_cast %broadcast_in_dim3A_92 : vector<16x1xi32> to vector<16xi32>
      %gather3A_94 = tpu.dynamic_gather %min3A[%gather3A_93] in [0] : vector<16xi32>, vector<16xi32> -> vector<16xi32>
      %min3A_95 = arith.minsi %min3A, %gather3A_94 : vector<16xi32>
      %xor3A_96 = arith.constant 2 : i32
      %xor3A_97 = vector.broadcast %xor3A_96 : i32 to vector<16xi32>
      %xor3A_98 = arith.xori %iota3A, %xor3A_97 : vector<16xi32>
      %broadcast_in_dim3A_99 = vector.shape_cast %xor3A_98 : vector<16xi32> to vector<16x1xi32>
      %gather3A_100 = vector.shape_cast %broadcast_in_dim3A_99 : vector<16x1xi32> to vector<16xi32>
      %gather3A_101 = tpu.dynamic_gather %min3A_95[%gather3A_100] in [0] : vector<16xi32>, vector<16xi32> -> vector<16xi32>
      %min3A_102 = arith.minsi %min3A_95, %gather3A_101 : vector<16xi32>
      %xor3A_103 = arith.constant 1 : i32
      %xor3A_104 = vector.broadcast %xor3A_103 : i32 to vector<16xi32>
      %xor3A_105 = arith.xori %iota3A, %xor3A_104 : vector<16xi32>
      %broadcast_in_dim3A_106 = vector.shape_cast %xor3A_105 : vector<16xi32> to vector<16x1xi32>
      %gather3A_107 = vector.shape_cast %broadcast_in_dim3A_106 : vector<16x1xi32> to vector<16xi32>
      %gather3A_108 = tpu.dynamic_gather %min3A_102[%gather3A_107] in [0] : vector<16xi32>, vector<16xi32> -> vector<16xi32>
      %min3A_109 = arith.minsi %min3A_102, %gather3A_108 : vector<16xi32>
      %eq3A_110 = arith.cmpi eq, %iota3A, %min3A_109 : vector<16xi32>
      %broadcast_in_dim3A_111 = vector.broadcast %scan3A : f32 to vector<16xf32>
      %select_n3A_112 = arith.select %eq3A_110, %broadcast_in_dim3A_111, %get3A_54 : vector<16xi1>, vector<16xf32>
      %xor3A_113 = arith.constant 8 : i32
      %xor3A_114 = vector.broadcast %xor3A_113 : i32 to vector<16xi32>
      %xor3A_115 = arith.xori %iota3A, %xor3A_114 : vector<16xi32>
      %broadcast_in_dim3A_116 = vector.shape_cast %xor3A_115 : vector<16xi32> to vector<16x1xi32>
      %gather3A_117 = vector.shape_cast %broadcast_in_dim3A_116 : vector<16x1xi32> to vector<16xi32>
      %gather3A_118 = tpu.dynamic_gather %select_n3A_112[%gather3A_117] in [0] : vector<16xf32>, vector<16xi32> -> vector<16xf32>
      %max3A_119 = arith.maximumf %select_n3A_112, %gather3A_118 : vector<16xf32>
      %xor3A_120 = arith.constant 4 : i32
      %xor3A_121 = vector.broadcast %xor3A_120 : i32 to vector<16xi32>
      %xor3A_122 = arith.xori %iota3A, %xor3A_121 : vector<16xi32>
      %broadcast_in_dim3A_123 = vector.shape_cast %xor3A_122 : vector<16xi32> to vector<16x1xi32>
      %gather3A_124 = vector.shape_cast %broadcast_in_dim3A_123 : vector<16x1xi32> to vector<16xi32>
      %gather3A_125 = tpu.dynamic_gather %max3A_119[%gather3A_124] in [0] : vector<16xf32>, vector<16xi32> -> vector<16xf32>
      %max3A_126 = arith.maximumf %max3A_119, %gather3A_125 : vector<16xf32>
      %xor3A_127 = arith.constant 2 : i32
      %xor3A_128 = vector.broadcast %xor3A_127 : i32 to vector<16xi32>
      %xor3A_129 = arith.xori %iota3A, %xor3A_128 : vector<16xi32>
      %broadcast_in_dim3A_130 = vector.shape_cast %xor3A_129 : vector<16xi32> to vector<16x1xi32>
      %gather3A_131 = vector.shape_cast %broadcast_in_dim3A_130 : vector<16x1xi32> to vector<16xi32>
      %gather3A_132 = tpu.dynamic_gather %max3A_126[%gather3A_131] in [0] : vector<16xf32>, vector<16xi32> -> vector<16xf32>
      %max3A_133 = arith.maximumf %max3A_126, %gather3A_132 : vector<16xf32>
      %xor3A_134 = arith.constant 1 : i32
      %xor3A_135 = vector.broadcast %xor3A_134 : i32 to vector<16xi32>
      %xor3A_136 = arith.xori %iota3A, %xor3A_135 : vector<16xi32>
      %broadcast_in_dim3A_137 = vector.shape_cast %xor3A_136 : vector<16xi32> to vector<16x1xi32>
      %gather3A_138 = vector.shape_cast %broadcast_in_dim3A_137 : vector<16x1xi32> to vector<16xi32>
      %gather3A_139 = tpu.dynamic_gather %max3A_133[%gather3A_138] in [0] : vector<16xf32>, vector<16xi32> -> vector<16xf32>
      %max3A_140 = arith.maximumf %max3A_133, %gather3A_139 : vector<16xf32>
      %eq3A_141 = arith.cmpf oeq, %select_n3A_112, %max3A_140 : vector<16xf32>
      %jit3A_142 = arith.constant 16 : i32
      %broadcast_in_dim3A_143 = vector.broadcast %jit3A_142 : i32 to vector<16xi32>
      %select_n3A_144 = arith.select %eq3A_141, %iota3A, %broadcast_in_dim3A_143 : vector<16xi1>, vector<16xi32>
      %xor3A_145 = arith.constant 8 : i32
      %xor3A_146 = vector.broadcast %xor3A_145 : i32 to vector<16xi32>
      %xor3A_147 = arith.xori %iota3A, %xor3A_146 : vector<16xi32>
      %broadcast_in_dim3A_148 = vector.shape_cast %xor3A_147 : vector<16xi32> to vector<16x1xi32>
      %gather3A_149 = vector.shape_cast %broadcast_in_dim3A_148 : vector<16x1xi32> to vector<16xi32>
      %gather3A_150 = tpu.dynamic_gather %select_n3A_144[%gather3A_149] in [0] : vector<16xi32>, vector<16xi32> -> vector<16xi32>
      %min3A_151 = arith.minsi %select_n3A_144, %gather3A_150 : vector<16xi32>
      %xor3A_152 = arith.constant 4 : i32
      %xor3A_153 = vector.broadcast %xor3A_152 : i32 to vector<16xi32>
      %xor3A_154 = arith.xori %iota3A, %xor3A_153 : vector<16xi32>
      %broadcast_in_dim3A_155 = vector.shape_cast %xor3A_154 : vector<16xi32> to vector<16x1xi32>
      %gather3A_156 = vector.shape_cast %broadcast_in_dim3A_155 : vector<16x1xi32> to vector<16xi32>
      %gather3A_157 = tpu.dynamic_gather %min3A_151[%gather3A_156] in [0] : vector<16xi32>, vector<16xi32> -> vector<16xi32>
      %min3A_158 = arith.minsi %min3A_151, %gather3A_157 : vector<16xi32>
      %xor3A_159 = arith.constant 2 : i32
      %xor3A_160 = vector.broadcast %xor3A_159 : i32 to vector<16xi32>
      %xor3A_161 = arith.xori %iota3A, %xor3A_160 : vector<16xi32>
      %broadcast_in_dim3A_162 = vector.shape_cast %xor3A_161 : vector<16xi32> to vector<16x1xi32>
      %gather3A_163 = vector.shape_cast %broadcast_in_dim3A_162 : vector<16x1xi32> to vector<16xi32>
      %gather3A_164 = tpu.dynamic_gather %min3A_158[%gather3A_163] in [0] : vector<16xi32>, vector<16xi32> -> vector<16xi32>
      %min3A_165 = arith.minsi %min3A_158, %gather3A_164 : vector<16xi32>
      %xor3A_166 = arith.constant 1 : i32
      %xor3A_167 = vector.broadcast %xor3A_166 : i32 to vector<16xi32>
      %xor3A_168 = arith.xori %iota3A, %xor3A_167 : vector<16xi32>
      %broadcast_in_dim3A_169 = vector.shape_cast %xor3A_168 : vector<16xi32> to vector<16x1xi32>
      %gather3A_170 = vector.shape_cast %broadcast_in_dim3A_169 : vector<16x1xi32> to vector<16xi32>
      %gather3A_171 = tpu.dynamic_gather %min3A_165[%gather3A_170] in [0] : vector<16xi32>, vector<16xi32> -> vector<16xi32>
      %min3A_172 = arith.minsi %min3A_165, %gather3A_171 : vector<16xi32>
      %sub3A_173 = arith.subf %max3A_140, %max3A_78 : vector<16xf32>
      %exp3A = math.exp %sub3A_173 : vector<16xf32>
      %add3A_174 = arith.constant 1.000000e+00 : f32
      %add3A_175 = vector.broadcast %add3A_174 : f32 to vector<16xf32>
      %add3A_176 = arith.addf %add3A_175, %exp3A : vector<16xf32>
      %div3A_177 = arith.constant 1.000000e+00 : f32
      %div3A_178 = vector.broadcast %div3A_177 : f32 to vector<16xf32>
      %div3A_179 = arith.divf %div3A_178, %add3A_176 : vector<16xf32>
      %eq3A_180 = arith.constant 0 : i32
      %eq3A_181 = vector.broadcast %eq3A_180 : i32 to vector<16xi32>
      %eq3A_182 = arith.cmpi eq, %select_n3A_17, %eq3A_181 : vector<16xi32>
      %convert_element_type3A = arith.sitofp %min3A_109 : vector<16xi32> to vector<16xf32>
      %eq3A_183 = arith.constant 1 : i32
      %eq3A_184 = vector.broadcast %eq3A_183 : i32 to vector<16xi32>
      %eq3A_185 = arith.cmpi eq, %select_n3A_17, %eq3A_184 : vector<16xi32>
      %eq3A_186 = arith.constant 2 : i32
      %eq3A_187 = vector.broadcast %eq3A_186 : i32 to vector<16xi32>
      %eq3A_188 = arith.cmpi eq, %select_n3A_17, %eq3A_187 : vector<16xi32>
      %convert_element_type3A_189 = arith.sitofp %min3A_172 : vector<16xi32> to vector<16xf32>
      %mul3A_190 = arith.mulf %exp3A, %div3A_179 : vector<16xf32>
      %select_n3A_191 = arith.select %eq3A_188, %convert_element_type3A_189, %mul3A_190 : vector<16xi1>, vector<16xf32>
      %select_n3A_192 = arith.select %eq3A_185, %div3A_179, %select_n3A_191 : vector<16xi1>, vector<16xf32>
      %select_n3A_193 = arith.select %eq3A_182, %convert_element_type3A, %select_n3A_192 : vector<16xi1>, vector<16xf32>
      %swap3A = arith.index_cast %scan3A_51 : i32 to index
      %swap3A_194 = arith.constant 0 : index
      %swap3A_195 = tpu.vector_load %arg5[%swap3A, %swap3A_194] {strides = array<i32>} : memref<256x16xf32, #tpu.memory_space<vmem>>, vector<1x16xf32>,
      %swap3A_196 = vector.shape_cast %swap3A_195 : vector<1x16xf32> to vector<16xf32>
      %swap3A_197 = vector.shape_cast %select_n3A_193 : vector<16xf32> to vector<1x16xf32>
      tpu.vector_store %arg5[%swap3A, %swap3A_194], %swap3A_197 {strides = array<i32>} : memref<256x16xf32, #tpu.memory_space<vmem>>, vector<1x16xf32>,
      %scan3A_198 = arith.constant 1 : i32
      %scan3A_199 = arith.addi %scan3A_51, %scan3A_198 : i32
      %get3A_200 = arith.index_cast %scan3A_199 : i32 to index
      %get3A_201 = arith.constant 0 : index
      %get3A_202 = tpu.vector_load %arg4[%get3A_200, %get3A_201] {strides = array<i32>} : memref<256x16xf32, #tpu.memory_space<vmem>>, vector<1x16xf32>,
      %get3A_203 = vector.shape_cast %get3A_202 : vector<1x16xf32> to vector<16xf32>
      %xor3A_204 = arith.constant 8 : i32
      %xor3A_205 = vector.broadcast %xor3A_204 : i32 to vector<16xi32>
      %xor3A_206 = arith.xori %iota3A, %xor3A_205 : vector<16xi32>
      %broadcast_in_dim3A_207 = vector.shape_cast %xor3A_206 : vector<16xi32> to vector<16x1xi32>
      %gather3A_208 = vector.shape_cast %broadcast_in_dim3A_207 : vector<16x1xi32> to vector<16xi32>
      %gather3A_209 = tpu.dynamic_gather %get3A_203[%gather3A_208] in [0] : vector<16xf32>, vector<16xi32> -> vector<16xf32>
      %max3A_210 = arith.maximumf %get3A_203, %gather3A_209 : vector<16xf32>
      %xor3A_211 = arith.constant 4 : i32
      %xor3A_212 = vector.broadcast %xor3A_211 : i32 to vector<16xi32>
      %xor3A_213 = arith.xori %iota3A, %xor3A_212 : vector<16xi32>
      %broadcast_in_dim3A_214 = vector.shape_cast %xor3A_213 : vector<16xi32> to vector<16x1xi32>
      %gather3A_215 = vector.shape_cast %broadcast_in_dim3A_214 : vector<16x1xi32> to vector<16xi32>
      %gather3A_216 = tpu.dynamic_gather %max3A_210[%gather3A_215] in [0] : vector<16xf32>, vector<16xi32> -> vector<16xf32>
      %max3A_217 = arith.maximumf %max3A_210, %gather3A_216 : vector<16xf32>
      %xor3A_218 = arith.constant 2 : i32
      %xor3A_219 = vector.broadcast %xor3A_218 : i32 to vector<16xi32>
      %xor3A_220 = arith.xori %iota3A, %xor3A_219 : vector<16xi32>
      %broadcast_in_dim3A_221 = vector.shape_cast %xor3A_220 : vector<16xi32> to vector<16x1xi32>
      %gather3A_222 = vector.shape_cast %broadcast_in_dim3A_221 : vector<16x1xi32> to vector<16xi32>
      %gather3A_223 = tpu.dynamic_gather %max3A_217[%gather3A_222] in [0] : vector<16xf32>, vector<16xi32> -> vector<16xf32>
      %max3A_224 = arith.maximumf %max3A_217, %gather3A_223 : vector<16xf32>
      %xor3A_225 = arith.constant 1 : i32
      %xor3A_226 = vector.broadcast %xor3A_225 : i32 to vector<16xi32>
      %xor3A_227 = arith.xori %iota3A, %xor3A_226 : vector<16xi32>
      %broadcast_in_dim3A_228 = vector.shape_cast %xor3A_227 : vector<16xi32> to vector<16x1xi32>
      %gather3A_229 = vector.shape_cast %broadcast_in_dim3A_228 : vector<16x1xi32> to vector<16xi32>
      %gather3A_230 = tpu.dynamic_gather %max3A_224[%gather3A_229] in [0] : vector<16xf32>, vector<16xi32> -> vector<16xf32>
      %max3A_231 = arith.maximumf %max3A_224, %gather3A_230 : vector<16xf32>
      %eq3A_232 = arith.cmpf oeq, %get3A_203, %max3A_231 : vector<16xf32>
      %jit3A_233 = arith.constant 16 : i32
      %broadcast_in_dim3A_234 = vector.broadcast %jit3A_233 : i32 to vector<16xi32>
      %select_n3A_235 = arith.select %eq3A_232, %iota3A, %broadcast_in_dim3A_234 : vector<16xi1>, vector<16xi32>
      %xor3A_236 = arith.constant 8 : i32
      %xor3A_237 = vector.broadcast %xor3A_236 : i32 to vector<16xi32>
      %xor3A_238 = arith.xori %iota3A, %xor3A_237 : vector<16xi32>
      %broadcast_in_dim3A_239 = vector.shape_cast %xor3A_238 : vector<16xi32> to vector<16x1xi32>
      %gather3A_240 = vector.shape_cast %broadcast_in_dim3A_239 : vector<16x1xi32> to vector<16xi32>
      %gather3A_241 = tpu.dynamic_gather %select_n3A_235[%gather3A_240] in [0] : vector<16xi32>, vector<16xi32> -> vector<16xi32>
      %min3A_242 = arith.minsi %select_n3A_235, %gather3A_241 : vector<16xi32>
      %xor3A_243 = arith.constant 4 : i32
      %xor3A_244 = vector.broadcast %xor3A_243 : i32 to vector<16xi32>
      %xor3A_245 = arith.xori %iota3A, %xor3A_244 : vector<16xi32>
      %broadcast_in_dim3A_246 = vector.shape_cast %xor3A_245 : vector<16xi32> to vector<16x1xi32>
      %gather3A_247 = vector.shape_cast %broadcast_in_dim3A_246 : vector<16x1xi32> to vector<16xi32>
      %gather3A_248 = tpu.dynamic_gather %min3A_242[%gather3A_247] in [0] : vector<16xi32>, vector<16xi32> -> vector<16xi32>
      %min3A_249 = arith.minsi %min3A_242, %gather3A_248 : vector<16xi32>
      %xor3A_250 = arith.constant 2 : i32
      %xor3A_251 = vector.broadcast %xor3A_250 : i32 to vector<16xi32>
      %xor3A_252 = arith.xori %iota3A, %xor3A_251 : vector<16xi32>
      %broadcast_in_dim3A_253 = vector.shape_cast %xor3A_252 : vector<16xi32> to vector<16x1xi32>
      %gather3A_254 = vector.shape_cast %broadcast_in_dim3A_253 : vector<16x1xi32> to vector<16xi32>
      %gather3A_255 = tpu.dynamic_gather %min3A_249[%gather3A_254] in [0] : vector<16xi32>, vector<16xi32> -> vector<16xi32>
      %min3A_256 = arith.minsi %min3A_249, %gather3A_255 : vector<16xi32>
      %xor3A_257 = arith.constant 1 : i32
      %xor3A_258 = vector.broadcast %xor3A_257 : i32 to vector<16xi32>
      %xor3A_259 = arith.xori %iota3A, %xor3A_258 : vector<16xi32>
      %broadcast_in_dim3A_260 = vector.shape_cast %xor3A_259 : vector<16xi32> to vector<16x1xi32>
      %gather3A_261 = vector.shape_cast %broadcast_in_dim3A_260 : vector<16x1xi32> to vector<16xi32>
      %gather3A_262 = tpu.dynamic_gather %min3A_256[%gather3A_261] in [0] : vector<16xi32>, vector<16xi32> -> vector<16xi32>
      %min3A_263 = arith.minsi %min3A_256, %gather3A_262 : vector<16xi32>
      %eq3A_264 = arith.cmpi eq, %iota3A, %min3A_263 : vector<16xi32>
      %broadcast_in_dim3A_265 = vector.broadcast %scan3A : f32 to vector<16xf32>
      %select_n3A_266 = arith.select %eq3A_264, %broadcast_in_dim3A_265, %get3A_203 : vector<16xi1>, vector<16xf32>
      %xor3A_267 = arith.constant 8 : i32
      %xor3A_268 = vector.broadcast %xor3A_267 : i32 to vector<16xi32>
      %xor3A_269 = arith.xori %iota3A, %xor3A_268 : vector<16xi32>
      %broadcast_in_dim3A_270 = vector.shape_cast %xor3A_269 : vector<16xi32> to vector<16x1xi32>
      %gather3A_271 = vector.shape_cast %broadcast_in_dim3A_270 : vector<16x1xi32> to vector<16xi32>
      %gather3A_272 = tpu.dynamic_gather %select_n3A_266[%gather3A_271] in [0] : vector<16xf32>, vector<16xi32> -> vector<16xf32>
      %max3A_273 = arith.maximumf %select_n3A_266, %gather3A_272 : vector<16xf32>
      %xor3A_274 = arith.constant 4 : i32
      %xor3A_275 = vector.broadcast %xor3A_274 : i32 to vector<16xi32>
      %xor3A_276 = arith.xori %iota3A, %xor3A_275 : vector<16xi32>
      %broadcast_in_dim3A_277 = vector.shape_cast %xor3A_276 : vector<16xi32> to vector<16x1xi32>
      %gather3A_278 = vector.shape_cast %broadcast_in_dim3A_277 : vector<16x1xi32> to vector<16xi32>
      %gather3A_279 = tpu.dynamic_gather %max3A_273[%gather3A_278] in [0] : vector<16xf32>, vector<16xi32> -> vector<16xf32>
      %max3A_280 = arith.maximumf %max3A_273, %gather3A_279 : vector<16xf32>
      %xor3A_281 = arith.constant 2 : i32
      %xor3A_282 = vector.broadcast %xor3A_281 : i32 to vector<16xi32>
      %xor3A_283 = arith.xori %iota3A, %xor3A_282 : vector<16xi32>
      %broadcast_in_dim3A_284 = vector.shape_cast %xor3A_283 : vector<16xi32> to vector<16x1xi32>
      %gather3A_285 = vector.shape_cast %broadcast_in_dim3A_284 : vector<16x1xi32> to vector<16xi32>
      %gather3A_286 = tpu.dynamic_gather %max3A_280[%gather3A_285] in [0] : vector<16xf32>, vector<16xi32> -> vector<16xf32>
      %max3A_287 = arith.maximumf %max3A_280, %gather3A_286 : vector<16xf32>
      %xor3A_288 = arith.constant 1 : i32
      %xor3A_289 = vector.broadcast %xor3A_288 : i32 to vector<16xi32>
      %xor3A_290 = arith.xori %iota3A, %xor3A_289 : vector<16xi32>
      %broadcast_in_dim3A_291 = vector.shape_cast %xor3A_290 : vector<16xi32> to vector<16x1xi32>
      %gather3A_292 = vector.shape_cast %broadcast_in_dim3A_291 : vector<16x1xi32> to vector<16xi32>
      %gather3A_293 = tpu.dynamic_gather %max3A_287[%gather3A_292] in [0] : vector<16xf32>, vector<16xi32> -> vector<16xf32>
      %max3A_294 = arith.maximumf %max3A_287, %gather3A_293 : vector<16xf32>
      %eq3A_295 = arith.cmpf oeq, %select_n3A_266, %max3A_294 : vector<16xf32>
      %jit3A_296 = arith.constant 16 : i32
      %broadcast_in_dim3A_297 = vector.broadcast %jit3A_296 : i32 to vector<16xi32>
      %select_n3A_298 = arith.select %eq3A_295, %iota3A, %broadcast_in_dim3A_297 : vector<16xi1>, vector<16xi32>
      %xor3A_299 = arith.constant 8 : i32
      %xor3A_300 = vector.broadcast %xor3A_299 : i32 to vector<16xi32>
      %xor3A_301 = arith.xori %iota3A, %xor3A_300 : vector<16xi32>
      %broadcast_in_dim3A_302 = vector.shape_cast %xor3A_301 : vector<16xi32> to vector<16x1xi32>
      %gather3A_303 = vector.shape_cast %broadcast_in_dim3A_302 : vector<16x1xi32> to vector<16xi32>
      %gather3A_304 = tpu.dynamic_gather %select_n3A_298[%gather3A_303] in [0] : vector<16xi32>, vector<16xi32> -> vector<16xi32>
      %min3A_305 = arith.minsi %select_n3A_298, %gather3A_304 : vector<16xi32>
      %xor3A_306 = arith.constant 4 : i32
      %xor3A_307 = vector.broadcast %xor3A_306 : i32 to vector<16xi32>
      %xor3A_308 = arith.xori %iota3A, %xor3A_307 : vector<16xi32>
      %broadcast_in_dim3A_309 = vector.shape_cast %xor3A_308 : vector<16xi32> to vector<16x1xi32>
      %gather3A_310 = vector.shape_cast %broadcast_in_dim3A_309 : vector<16x1xi32> to vector<16xi32>
      %gather3A_311 = tpu.dynamic_gather %min3A_305[%gather3A_310] in [0] : vector<16xi32>, vector<16xi32> -> vector<16xi32>
      %min3A_312 = arith.minsi %min3A_305, %gather3A_311 : vector<16xi32>
      %xor3A_313 = arith.constant 2 : i32
      %xor3A_314 = vector.broadcast %xor3A_313 : i32 to vector<16xi32>
      %xor3A_315 = arith.xori %iota3A, %xor3A_314 : vector<16xi32>
      %broadcast_in_dim3A_316 = vector.shape_cast %xor3A_315 : vector<16xi32> to vector<16x1xi32>
      %gather3A_317 = vector.shape_cast %broadcast_in_dim3A_316 : vector<16x1xi32> to vector<16xi32>
      %gather3A_318 = tpu.dynamic_gather %min3A_312[%gather3A_317] in [0] : vector<16xi32>, vector<16xi32> -> vector<16xi32>
      %min3A_319 = arith.minsi %min3A_312, %gather3A_318 : vector<16xi32>
      %xor3A_320 = arith.constant 1 : i32
      %xor3A_321 = vector.broadcast %xor3A_320 : i32 to vector<16xi32>
      %xor3A_322 = arith.xori %iota3A, %xor3A_321 : vector<16xi32>
      %broadcast_in_dim3A_323 = vector.shape_cast %xor3A_322 : vector<16xi32> to vector<16x1xi32>
      %gather3A_324 = vector.shape_cast %broadcast_in_dim3A_323 : vector<16x1xi32> to vector<16xi32>
      %gather3A_325 = tpu.dynamic_gather %min3A_319[%gather3A_324] in [0] : vector<16xi32>, vector<16xi32> -> vector<16xi32>
      %min3A_326 = arith.minsi %min3A_319, %gather3A_325 : vector<16xi32>
      %sub3A_327 = arith.subf %max3A_294, %max3A_231 : vector<16xf32>
      %exp3A_328 = math.exp %sub3A_327 : vector<16xf32>
      %add3A_329 = arith.constant 1.000000e+00 : f32
      %add3A_330 = vector.broadcast %add3A_329 : f32 to vector<16xf32>
      %add3A_331 = arith.addf %add3A_330, %exp3A_328 : vector<16xf32>
      %div3A_332 = arith.constant 1.000000e+00 : f32
      %div3A_333 = vector.broadcast %div3A_332 : f32 to vector<16xf32>
      %div3A_334 = arith.divf %div3A_333, %add3A_331 : vector<16xf32>
      %eq3A_335 = arith.constant 0 : i32
      %eq3A_336 = vector.broadcast %eq3A_335 : i32 to vector<16xi32>
      %eq3A_337 = arith.cmpi eq, %select_n3A_17, %eq3A_336 : vector<16xi32>
      %convert_element_type3A_338 = arith.sitofp %min3A_263 : vector<16xi32> to vector<16xf32>
      %eq3A_339 = arith.constant 1 : i32
      %eq3A_340 = vector.broadcast %eq3A_339 : i32 to vector<16xi32>
      %eq3A_341 = arith.cmpi eq, %select_n3A_17, %eq3A_340 : vector<16xi32>
      %eq3A_342 = arith.constant 2 : i32
      %eq3A_343 = vector.broadcast %eq3A_342 : i32 to vector<16xi32>
      %eq3A_344 = arith.cmpi eq, %select_n3A_17, %eq3A_343 : vector<16xi32>
      %convert_element_type3A_345 = arith.sitofp %min3A_326 : vector<16xi32> to vector<16xf32>
      %mul3A_346 = arith.mulf %exp3A_328, %div3A_334 : vector<16xf32>
      %select_n3A_347 = arith.select %eq3A_344, %convert_element_type3A_345, %mul3A_346 : vector<16xi1>, vector<16xf32>
      %select_n3A_348 = arith.select %eq3A_341, %div3A_334, %select_n3A_347 : vector<16xi1>, vector<16xf32>
      %select_n3A_349 = arith.select %eq3A_337, %convert_element_type3A_338, %select_n3A_348 : vector<16xi1>, vector<16xf32>
      %swap3A_350 = arith.index_cast %scan3A_199 : i32 to index
      %swap3A_351 = arith.constant 0 : index
      %swap3A_352 = tpu.vector_load %arg5[%swap3A_350, %swap3A_351] {strides = array<i32>} : memref<256x16xf32, #tpu.memory_space<vmem>>, vector<1x16xf32>,
      %swap3A_353 = vector.shape_cast %swap3A_352 : vector<1x16xf32> to vector<16xf32>
      %swap3A_354 = vector.shape_cast %select_n3A_349 : vector<16xf32> to vector<1x16xf32>
      tpu.vector_store %arg5[%swap3A_350, %swap3A_351], %swap3A_354 {strides = array<i32>} : memref<256x16xf32, #tpu.memory_space<vmem>>, vector<1x16xf32>,
      %scan3A_355 = arith.constant 2 : i32
      %scan3A_356 = arith.addi %scan3A_51, %scan3A_355 : i32
      %get3A_357 = arith.index_cast %scan3A_356 : i32 to index
      %get3A_358 = arith.constant 0 : index
      %get3A_359 = tpu.vector_load %arg4[%get3A_357, %get3A_358] {strides = array<i32>} : memref<256x16xf32, #tpu.memory_space<vmem>>, vector<1x16xf32>,
      %get3A_360 = vector.shape_cast %get3A_359 : vector<1x16xf32> to vector<16xf32>
      %xor3A_361 = arith.constant 8 : i32
      %xor3A_362 = vector.broadcast %xor3A_361 : i32 to vector<16xi32>
      %xor3A_363 = arith.xori %iota3A, %xor3A_362 : vector<16xi32>
      %broadcast_in_dim3A_364 = vector.shape_cast %xor3A_363 : vector<16xi32> to vector<16x1xi32>
      %gather3A_365 = vector.shape_cast %broadcast_in_dim3A_364 : vector<16x1xi32> to vector<16xi32>
      %gather3A_366 = tpu.dynamic_gather %get3A_360[%gather3A_365] in [0] : vector<16xf32>, vector<16xi32> -> vector<16xf32>
      %max3A_367 = arith.maximumf %get3A_360, %gather3A_366 : vector<16xf32>
      %xor3A_368 = arith.constant 4 : i32
      %xor3A_369 = vector.broadcast %xor3A_368 : i32 to vector<16xi32>
      %xor3A_370 = arith.xori %iota3A, %xor3A_369 : vector<16xi32>
      %broadcast_in_dim3A_371 = vector.shape_cast %xor3A_370 : vector<16xi32> to vector<16x1xi32>
      %gather3A_372 = vector.shape_cast %broadcast_in_dim3A_371 : vector<16x1xi32> to vector<16xi32>
      %gather3A_373 = tpu.dynamic_gather %max3A_367[%gather3A_372] in [0] : vector<16xf32>, vector<16xi32> -> vector<16xf32>
      %max3A_374 = arith.maximumf %max3A_367, %gather3A_373 : vector<16xf32>
      %xor3A_375 = arith.constant 2 : i32
      %xor3A_376 = vector.broadcast %xor3A_375 : i32 to vector<16xi32>
      %xor3A_377 = arith.xori %iota3A, %xor3A_376 : vector<16xi32>
      %broadcast_in_dim3A_378 = vector.shape_cast %xor3A_377 : vector<16xi32> to vector<16x1xi32>
      %gather3A_379 = vector.shape_cast %broadcast_in_dim3A_378 : vector<16x1xi32> to vector<16xi32>
      %gather3A_380 = tpu.dynamic_gather %max3A_374[%gather3A_379] in [0] : vector<16xf32>, vector<16xi32> -> vector<16xf32>
      %max3A_381 = arith.maximumf %max3A_374, %gather3A_380 : vector<16xf32>
      %xor3A_382 = arith.constant 1 : i32
      %xor3A_383 = vector.broadcast %xor3A_382 : i32 to vector<16xi32>
      %xor3A_384 = arith.xori %iota3A, %xor3A_383 : vector<16xi32>
      %broadcast_in_dim3A_385 = vector.shape_cast %xor3A_384 : vector<16xi32> to vector<16x1xi32>
      %gather3A_386 = vector.shape_cast %broadcast_in_dim3A_385 : vector<16x1xi32> to vector<16xi32>
      %gather3A_387 = tpu.dynamic_gather %max3A_381[%gather3A_386] in [0] : vector<16xf32>, vector<16xi32> -> vector<16xf32>
      %max3A_388 = arith.maximumf %max3A_381, %gather3A_387 : vector<16xf32>
      %eq3A_389 = arith.cmpf oeq, %get3A_360, %max3A_388 : vector<16xf32>
      %jit3A_390 = arith.constant 16 : i32
      %broadcast_in_dim3A_391 = vector.broadcast %jit3A_390 : i32 to vector<16xi32>
      %select_n3A_392 = arith.select %eq3A_389, %iota3A, %broadcast_in_dim3A_391 : vector<16xi1>, vector<16xi32>
      %xor3A_393 = arith.constant 8 : i32
      %xor3A_394 = vector.broadcast %xor3A_393 : i32 to vector<16xi32>
      %xor3A_395 = arith.xori %iota3A, %xor3A_394 : vector<16xi32>
      %broadcast_in_dim3A_396 = vector.shape_cast %xor3A_395 : vector<16xi32> to vector<16x1xi32>
      %gather3A_397 = vector.shape_cast %broadcast_in_dim3A_396 : vector<16x1xi32> to vector<16xi32>
      %gather3A_398 = tpu.dynamic_gather %select_n3A_392[%gather3A_397] in [0] : vector<16xi32>, vector<16xi32> -> vector<16xi32>
      %min3A_399 = arith.minsi %select_n3A_392, %gather3A_398 : vector<16xi32>
      %xor3A_400 = arith.constant 4 : i32
      %xor3A_401 = vector.broadcast %xor3A_400 : i32 to vector<16xi32>
      %xor3A_402 = arith.xori %iota3A, %xor3A_401 : vector<16xi32>
      %broadcast_in_dim3A_403 = vector.shape_cast %xor3A_402 : vector<16xi32> to vector<16x1xi32>
      %gather3A_404 = vector.shape_cast %broadcast_in_dim3A_403 : vector<16x1xi32> to vector<16xi32>
      %gather3A_405 = tpu.dynamic_gather %min3A_399[%gather3A_404] in [0] : vector<16xi32>, vector<16xi32> -> vector<16xi32>
      %min3A_406 = arith.minsi %min3A_399, %gather3A_405 : vector<16xi32>
      %xor3A_407 = arith.constant 2 : i32
      %xor3A_408 = vector.broadcast %xor3A_407 : i32 to vector<16xi32>
      %xor3A_409 = arith.xori %iota3A, %xor3A_408 : vector<16xi32>
      %broadcast_in_dim3A_410 = vector.shape_cast %xor3A_409 : vector<16xi32> to vector<16x1xi32>
      %gather3A_411 = vector.shape_cast %broadcast_in_dim3A_410 : vector<16x1xi32> to vector<16xi32>
      %gather3A_412 = tpu.dynamic_gather %min3A_406[%gather3A_411] in [0] : vector<16xi32>, vector<16xi32> -> vector<16xi32>
      %min3A_413 = arith.minsi %min3A_406, %gather3A_412 : vector<16xi32>
      %xor3A_414 = arith.constant 1 : i32
      %xor3A_415 = vector.broadcast %xor3A_414 : i32 to vector<16xi32>
      %xor3A_416 = arith.xori %iota3A, %xor3A_415 : vector<16xi32>
      %broadcast_in_dim3A_417 = vector.shape_cast %xor3A_416 : vector<16xi32> to vector<16x1xi32>
      %gather3A_418 = vector.shape_cast %broadcast_in_dim3A_417 : vector<16x1xi32> to vector<16xi32>
      %gather3A_419 = tpu.dynamic_gather %min3A_413[%gather3A_418] in [0] : vector<16xi32>, vector<16xi32> -> vector<16xi32>
      %min3A_420 = arith.minsi %min3A_413, %gather3A_419 : vector<16xi32>
      %eq3A_421 = arith.cmpi eq, %iota3A, %min3A_420 : vector<16xi32>
      %broadcast_in_dim3A_422 = vector.broadcast %scan3A : f32 to vector<16xf32>
      %select_n3A_423 = arith.select %eq3A_421, %broadcast_in_dim3A_422, %get3A_360 : vector<16xi1>, vector<16xf32>
      %xor3A_424 = arith.constant 8 : i32
      %xor3A_425 = vector.broadcast %xor3A_424 : i32 to vector<16xi32>
      %xor3A_426 = arith.xori %iota3A, %xor3A_425 : vector<16xi32>
      %broadcast_in_dim3A_427 = vector.shape_cast %xor3A_426 : vector<16xi32> to vector<16x1xi32>
      %gather3A_428 = vector.shape_cast %broadcast_in_dim3A_427 : vector<16x1xi32> to vector<16xi32>
      %gather3A_429 = tpu.dynamic_gather %select_n3A_423[%gather3A_428] in [0] : vector<16xf32>, vector<16xi32> -> vector<16xf32>
      %max3A_430 = arith.maximumf %select_n3A_423, %gather3A_429 : vector<16xf32>
      %xor3A_431 = arith.constant 4 : i32
      %xor3A_432 = vector.broadcast %xor3A_431 : i32 to vector<16xi32>
      %xor3A_433 = arith.xori %iota3A, %xor3A_432 : vector<16xi32>
      %broadcast_in_dim3A_434 = vector.shape_cast %xor3A_433 : vector<16xi32> to vector<16x1xi32>
      %gather3A_435 = vector.shape_cast %broadcast_in_dim3A_434 : vector<16x1xi32> to vector<16xi32>
      %gather3A_436 = tpu.dynamic_gather %max3A_430[%gather3A_435] in [0] : vector<16xf32>, vector<16xi32> -> vector<16xf32>
      %max3A_437 = arith.maximumf %max3A_430, %gather3A_436 : vector<16xf32>
      %xor3A_438 = arith.constant 2 : i32
      %xor3A_439 = vector.broadcast %xor3A_438 : i32 to vector<16xi32>
      %xor3A_440 = arith.xori %iota3A, %xor3A_439 : vector<16xi32>
      %broadcast_in_dim3A_441 = vector.shape_cast %xor3A_440 : vector<16xi32> to vector<16x1xi32>
      %gather3A_442 = vector.shape_cast %broadcast_in_dim3A_441 : vector<16x1xi32> to vector<16xi32>
      %gather3A_443 = tpu.dynamic_gather %max3A_437[%gather3A_442] in [0] : vector<16xf32>, vector<16xi32> -> vector<16xf32>
      %max3A_444 = arith.maximumf %max3A_437, %gather3A_443 : vector<16xf32>
      %xor3A_445 = arith.constant 1 : i32
      %xor3A_446 = vector.broadcast %xor3A_445 : i32 to vector<16xi32>
      %xor3A_447 = arith.xori %iota3A, %xor3A_446 : vector<16xi32>
      %broadcast_in_dim3A_448 = vector.shape_cast %xor3A_447 : vector<16xi32> to vector<16x1xi32>
      %gather3A_449 = vector.shape_cast %broadcast_in_dim3A_448 : vector<16x1xi32> to vector<16xi32>
      %gather3A_450 = tpu.dynamic_gather %max3A_444[%gather3A_449] in [0] : vector<16xf32>, vector<16xi32> -> vector<16xf32>
      %max3A_451 = arith.maximumf %max3A_444, %gather3A_450 : vector<16xf32>
      %eq3A_452 = arith.cmpf oeq, %select_n3A_423, %max3A_451 : vector<16xf32>
      %jit3A_453 = arith.constant 16 : i32
      %broadcast_in_dim3A_454 = vector.broadcast %jit3A_453 : i32 to vector<16xi32>
      %select_n3A_455 = arith.select %eq3A_452, %iota3A, %broadcast_in_dim3A_454 : vector<16xi1>, vector<16xi32>
      %xor3A_456 = arith.constant 8 : i32
      %xor3A_457 = vector.broadcast %xor3A_456 : i32 to vector<16xi32>
      %xor3A_458 = arith.xori %iota3A, %xor3A_457 : vector<16xi32>
      %broadcast_in_dim3A_459 = vector.shape_cast %xor3A_458 : vector<16xi32> to vector<16x1xi32>
      %gather3A_460 = vector.shape_cast %broadcast_in_dim3A_459 : vector<16x1xi32> to vector<16xi32>
      %gather3A_461 = tpu.dynamic_gather %select_n3A_455[%gather3A_460] in [0] : vector<16xi32>, vector<16xi32> -> vector<16xi32>
      %min3A_462 = arith.minsi %select_n3A_455, %gather3A_461 : vector<16xi32>
      %xor3A_463 = arith.constant 4 : i32
      %xor3A_464 = vector.broadcast %xor3A_463 : i32 to vector<16xi32>
      %xor3A_465 = arith.xori %iota3A, %xor3A_464 : vector<16xi32>
      %broadcast_in_dim3A_466 = vector.shape_cast %xor3A_465 : vector<16xi32> to vector<16x1xi32>
      %gather3A_467 = vector.shape_cast %broadcast_in_dim3A_466 : vector<16x1xi32> to vector<16xi32>
      %gather3A_468 = tpu.dynamic_gather %min3A_462[%gather3A_467] in [0] : vector<16xi32>, vector<16xi32> -> vector<16xi32>
      %min3A_469 = arith.minsi %min3A_462, %gather3A_468 : vector<16xi32>
      %xor3A_470 = arith.constant 2 : i32
      %xor3A_471 = vector.broadcast %xor3A_470 : i32 to vector<16xi32>
      %xor3A_472 = arith.xori %iota3A, %xor3A_471 : vector<16xi32>
      %broadcast_in_dim3A_473 = vector.shape_cast %xor3A_472 : vector<16xi32> to vector<16x1xi32>
      %gather3A_474 = vector.shape_cast %broadcast_in_dim3A_473 : vector<16x1xi32> to vector<16xi32>
      %gather3A_475 = tpu.dynamic_gather %min3A_469[%gather3A_474] in [0] : vector<16xi32>, vector<16xi32> -> vector<16xi32>
      %min3A_476 = arith.minsi %min3A_469, %gather3A_475 : vector<16xi32>
      %xor3A_477 = arith.constant 1 : i32
      %xor3A_478 = vector.broadcast %xor3A_477 : i32 to vector<16xi32>
      %xor3A_479 = arith.xori %iota3A, %xor3A_478 : vector<16xi32>
      %broadcast_in_dim3A_480 = vector.shape_cast %xor3A_479 : vector<16xi32> to vector<16x1xi32>
      %gather3A_481 = vector.shape_cast %broadcast_in_dim3A_480 : vector<16x1xi32> to vector<16xi32>
      %gather3A_482 = tpu.dynamic_gather %min3A_476[%gather3A_481] in [0] : vector<16xi32>, vector<16xi32> -> vector<16xi32>
      %min3A_483 = arith.minsi %min3A_476, %gather3A_482 : vector<16xi32>
      %sub3A_484 = arith.subf %max3A_451, %max3A_388 : vector<16xf32>
      %exp3A_485 = math.exp %sub3A_484 : vector<16xf32>
      %add3A_486 = arith.constant 1.000000e+00 : f32
      %add3A_487 = vector.broadcast %add3A_486 : f32 to vector<16xf32>
      %add3A_488 = arith.addf %add3A_487, %exp3A_485 : vector<16xf32>
      %div3A_489 = arith.constant 1.000000e+00 : f32
      %div3A_490 = vector.broadcast %div3A_489 : f32 to vector<16xf32>
      %div3A_491 = arith.divf %div3A_490, %add3A_488 : vector<16xf32>
      %eq3A_492 = arith.constant 0 : i32
      %eq3A_493 = vector.broadcast %eq3A_492 : i32 to vector<16xi32>
      %eq3A_494 = arith.cmpi eq, %select_n3A_17, %eq3A_493 : vector<16xi32>
      %convert_element_type3A_495 = arith.sitofp %min3A_420 : vector<16xi32> to vector<16xf32>
      %eq3A_496 = arith.constant 1 : i32
      %eq3A_497 = vector.broadcast %eq3A_496 : i32 to vector<16xi32>
      %eq3A_498 = arith.cmpi eq, %select_n3A_17, %eq3A_497 : vector<16xi32>
      %eq3A_499 = arith.constant 2 : i32
      %eq3A_500 = vector.broadcast %eq3A_499 : i32 to vector<16xi32>
      %eq3A_501 = arith.cmpi eq, %select_n3A_17, %eq3A_500 : vector<16xi32>
      %convert_element_type3A_502 = arith.sitofp %min3A_483 : vector<16xi32> to vector<16xf32>
      %mul3A_503 = arith.mulf %exp3A_485, %div3A_491 : vector<16xf32>
      %select_n3A_504 = arith.select %eq3A_501, %convert_element_type3A_502, %mul3A_503 : vector<16xi1>, vector<16xf32>
      %select_n3A_505 = arith.select %eq3A_498, %div3A_491, %select_n3A_504 : vector<16xi1>, vector<16xf32>
      %select_n3A_506 = arith.select %eq3A_494, %convert_element_type3A_495, %select_n3A_505 : vector<16xi1>, vector<16xf32>
      %swap3A_507 = arith.index_cast %scan3A_356 : i32 to index
      %swap3A_508 = arith.constant 0 : index
      %swap3A_509 = tpu.vector_load %arg5[%swap3A_507, %swap3A_508] {strides = array<i32>} : memref<256x16xf32, #tpu.memory_space<vmem>>, vector<1x16xf32>,
      %swap3A_510 = vector.shape_cast %swap3A_509 : vector<1x16xf32> to vector<16xf32>
      %swap3A_511 = vector.shape_cast %select_n3A_506 : vector<16xf32> to vector<1x16xf32>
      tpu.vector_store %arg5[%swap3A_507, %swap3A_508], %swap3A_511 {strides = array<i32>} : memref<256x16xf32, #tpu.memory_space<vmem>>, vector<1x16xf32>,
      %scan3A_512 = arith.constant 3 : i32
      %scan3A_513 = arith.addi %scan3A_51, %scan3A_512 : i32
      %get3A_514 = arith.index_cast %scan3A_513 : i32 to index
      %get3A_515 = arith.constant 0 : index
      %get3A_516 = tpu.vector_load %arg4[%get3A_514, %get3A_515] {strides = array<i32>} : memref<256x16xf32, #tpu.memory_space<vmem>>, vector<1x16xf32>,
      %get3A_517 = vector.shape_cast %get3A_516 : vector<1x16xf32> to vector<16xf32>
      %xor3A_518 = arith.constant 8 : i32
      %xor3A_519 = vector.broadcast %xor3A_518 : i32 to vector<16xi32>
      %xor3A_520 = arith.xori %iota3A, %xor3A_519 : vector<16xi32>
      %broadcast_in_dim3A_521 = vector.shape_cast %xor3A_520 : vector<16xi32> to vector<16x1xi32>
      %gather3A_522 = vector.shape_cast %broadcast_in_dim3A_521 : vector<16x1xi32> to vector<16xi32>
      %gather3A_523 = tpu.dynamic_gather %get3A_517[%gather3A_522] in [0] : vector<16xf32>, vector<16xi32> -> vector<16xf32>
      %max3A_524 = arith.maximumf %get3A_517, %gather3A_523 : vector<16xf32>
      %xor3A_525 = arith.constant 4 : i32
      %xor3A_526 = vector.broadcast %xor3A_525 : i32 to vector<16xi32>
      %xor3A_527 = arith.xori %iota3A, %xor3A_526 : vector<16xi32>
      %broadcast_in_dim3A_528 = vector.shape_cast %xor3A_527 : vector<16xi32> to vector<16x1xi32>
      %gather3A_529 = vector.shape_cast %broadcast_in_dim3A_528 : vector<16x1xi32> to vector<16xi32>
      %gather3A_530 = tpu.dynamic_gather %max3A_524[%gather3A_529] in [0] : vector<16xf32>, vector<16xi32> -> vector<16xf32>
      %max3A_531 = arith.maximumf %max3A_524, %gather3A_530 : vector<16xf32>
      %xor3A_532 = arith.constant 2 : i32
      %xor3A_533 = vector.broadcast %xor3A_532 : i32 to vector<16xi32>
      %xor3A_534 = arith.xori %iota3A, %xor3A_533 : vector<16xi32>
      %broadcast_in_dim3A_535 = vector.shape_cast %xor3A_534 : vector<16xi32> to vector<16x1xi32>
      %gather3A_536 = vector.shape_cast %broadcast_in_dim3A_535 : vector<16x1xi32> to vector<16xi32>
      %gather3A_537 = tpu.dynamic_gather %max3A_531[%gather3A_536] in [0] : vector<16xf32>, vector<16xi32> -> vector<16xf32>
      %max3A_538 = arith.maximumf %max3A_531, %gather3A_537 : vector<16xf32>
      %xor3A_539 = arith.constant 1 : i32
      %xor3A_540 = vector.broadcast %xor3A_539 : i32 to vector<16xi32>
      %xor3A_541 = arith.xori %iota3A, %xor3A_540 : vector<16xi32>
      %broadcast_in_dim3A_542 = vector.shape_cast %xor3A_541 : vector<16xi32> to vector<16x1xi32>
      %gather3A_543 = vector.shape_cast %broadcast_in_dim3A_542 : vector<16x1xi32> to vector<16xi32>
      %gather3A_544 = tpu.dynamic_gather %max3A_538[%gather3A_543] in [0] : vector<16xf32>, vector<16xi32> -> vector<16xf32>
      %max3A_545 = arith.maximumf %max3A_538, %gather3A_544 : vector<16xf32>
      %eq3A_546 = arith.cmpf oeq, %get3A_517, %max3A_545 : vector<16xf32>
      %jit3A_547 = arith.constant 16 : i32
      %broadcast_in_dim3A_548 = vector.broadcast %jit3A_547 : i32 to vector<16xi32>
      %select_n3A_549 = arith.select %eq3A_546, %iota3A, %broadcast_in_dim3A_548 : vector<16xi1>, vector<16xi32>
      %xor3A_550 = arith.constant 8 : i32
      %xor3A_551 = vector.broadcast %xor3A_550 : i32 to vector<16xi32>
      %xor3A_552 = arith.xori %iota3A, %xor3A_551 : vector<16xi32>
      %broadcast_in_dim3A_553 = vector.shape_cast %xor3A_552 : vector<16xi32> to vector<16x1xi32>
      %gather3A_554 = vector.shape_cast %broadcast_in_dim3A_553 : vector<16x1xi32> to vector<16xi32>
      %gather3A_555 = tpu.dynamic_gather %select_n3A_549[%gather3A_554] in [0] : vector<16xi32>, vector<16xi32> -> vector<16xi32>
      %min3A_556 = arith.minsi %select_n3A_549, %gather3A_555 : vector<16xi32>
      %xor3A_557 = arith.constant 4 : i32
      %xor3A_558 = vector.broadcast %xor3A_557 : i32 to vector<16xi32>
      %xor3A_559 = arith.xori %iota3A, %xor3A_558 : vector<16xi32>
      %broadcast_in_dim3A_560 = vector.shape_cast %xor3A_559 : vector<16xi32> to vector<16x1xi32>
      %gather3A_561 = vector.shape_cast %broadcast_in_dim3A_560 : vector<16x1xi32> to vector<16xi32>
      %gather3A_562 = tpu.dynamic_gather %min3A_556[%gather3A_561] in [0] : vector<16xi32>, vector<16xi32> -> vector<16xi32>
      %min3A_563 = arith.minsi %min3A_556, %gather3A_562 : vector<16xi32>
      %xor3A_564 = arith.constant 2 : i32
      %xor3A_565 = vector.broadcast %xor3A_564 : i32 to vector<16xi32>
      %xor3A_566 = arith.xori %iota3A, %xor3A_565 : vector<16xi32>
      %broadcast_in_dim3A_567 = vector.shape_cast %xor3A_566 : vector<16xi32> to vector<16x1xi32>
      %gather3A_568 = vector.shape_cast %broadcast_in_dim3A_567 : vector<16x1xi32> to vector<16xi32>
      %gather3A_569 = tpu.dynamic_gather %min3A_563[%gather3A_568] in [0] : vector<16xi32>, vector<16xi32> -> vector<16xi32>
      %min3A_570 = arith.minsi %min3A_563, %gather3A_569 : vector<16xi32>
      %xor3A_571 = arith.constant 1 : i32
      %xor3A_572 = vector.broadcast %xor3A_571 : i32 to vector<16xi32>
      %xor3A_573 = arith.xori %iota3A, %xor3A_572 : vector<16xi32>
      %broadcast_in_dim3A_574 = vector.shape_cast %xor3A_573 : vector<16xi32> to vector<16x1xi32>
      %gather3A_575 = vector.shape_cast %broadcast_in_dim3A_574 : vector<16x1xi32> to vector<16xi32>
      %gather3A_576 = tpu.dynamic_gather %min3A_570[%gather3A_575] in [0] : vector<16xi32>, vector<16xi32> -> vector<16xi32>
      %min3A_577 = arith.minsi %min3A_570, %gather3A_576 : vector<16xi32>
      %eq3A_578 = arith.cmpi eq, %iota3A, %min3A_577 : vector<16xi32>
      %broadcast_in_dim3A_579 = vector.broadcast %scan3A : f32 to vector<16xf32>
      %select_n3A_580 = arith.select %eq3A_578, %broadcast_in_dim3A_579, %get3A_517 : vector<16xi1>, vector<16xf32>
      %xor3A_581 = arith.constant 8 : i32
      %xor3A_582 = vector.broadcast %xor3A_581 : i32 to vector<16xi32>
      %xor3A_583 = arith.xori %iota3A, %xor3A_582 : vector<16xi32>
      %broadcast_in_dim3A_584 = vector.shape_cast %xor3A_583 : vector<16xi32> to vector<16x1xi32>
      %gather3A_585 = vector.shape_cast %broadcast_in_dim3A_584 : vector<16x1xi32> to vector<16xi32>
      %gather3A_586 = tpu.dynamic_gather %select_n3A_580[%gather3A_585] in [0] : vector<16xf32>, vector<16xi32> -> vector<16xf32>
      %max3A_587 = arith.maximumf %select_n3A_580, %gather3A_586 : vector<16xf32>
      %xor3A_588 = arith.constant 4 : i32
      %xor3A_589 = vector.broadcast %xor3A_588 : i32 to vector<16xi32>
      %xor3A_590 = arith.xori %iota3A, %xor3A_589 : vector<16xi32>
      %broadcast_in_dim3A_591 = vector.shape_cast %xor3A_590 : vector<16xi32> to vector<16x1xi32>
      %gather3A_592 = vector.shape_cast %broadcast_in_dim3A_591 : vector<16x1xi32> to vector<16xi32>
      %gather3A_593 = tpu.dynamic_gather %max3A_587[%gather3A_592] in [0] : vector<16xf32>, vector<16xi32> -> vector<16xf32>
      %max3A_594 = arith.maximumf %max3A_587, %gather3A_593 : vector<16xf32>
      %xor3A_595 = arith.constant 2 : i32
      %xor3A_596 = vector.broadcast %xor3A_595 : i32 to vector<16xi32>
      %xor3A_597 = arith.xori %iota3A, %xor3A_596 : vector<16xi32>
      %broadcast_in_dim3A_598 = vector.shape_cast %xor3A_597 : vector<16xi32> to vector<16x1xi32>
      %gather3A_599 = vector.shape_cast %broadcast_in_dim3A_598 : vector<16x1xi32> to vector<16xi32>
      %gather3A_600 = tpu.dynamic_gather %max3A_594[%gather3A_599] in [0] : vector<16xf32>, vector<16xi32> -> vector<16xf32>
      %max3A_601 = arith.maximumf %max3A_594, %gather3A_600 : vector<16xf32>
      %xor3A_602 = arith.constant 1 : i32
      %xor3A_603 = vector.broadcast %xor3A_602 : i32 to vector<16xi32>
      %xor3A_604 = arith.xori %iota3A, %xor3A_603 : vector<16xi32>
      %broadcast_in_dim3A_605 = vector.shape_cast %xor3A_604 : vector<16xi32> to vector<16x1xi32>
      %gather3A_606 = vector.shape_cast %broadcast_in_dim3A_605 : vector<16x1xi32> to vector<16xi32>
      %gather3A_607 = tpu.dynamic_gather %max3A_601[%gather3A_606] in [0] : vector<16xf32>, vector<16xi32> -> vector<16xf32>
      %max3A_608 = arith.maximumf %max3A_601, %gather3A_607 : vector<16xf32>
      %eq3A_609 = arith.cmpf oeq, %select_n3A_580, %max3A_608 : vector<16xf32>
      %jit3A_610 = arith.constant 16 : i32
      %broadcast_in_dim3A_611 = vector.broadcast %jit3A_610 : i32 to vector<16xi32>
      %select_n3A_612 = arith.select %eq3A_609, %iota3A, %broadcast_in_dim3A_611 : vector<16xi1>, vector<16xi32>
      %xor3A_613 = arith.constant 8 : i32
      %xor3A_614 = vector.broadcast %xor3A_613 : i32 to vector<16xi32>
      %xor3A_615 = arith.xori %iota3A, %xor3A_614 : vector<16xi32>
      %broadcast_in_dim3A_616 = vector.shape_cast %xor3A_615 : vector<16xi32> to vector<16x1xi32>
      %gather3A_617 = vector.shape_cast %broadcast_in_dim3A_616 : vector<16x1xi32> to vector<16xi32>
      %gather3A_618 = tpu.dynamic_gather %select_n3A_612[%gather3A_617] in [0] : vector<16xi32>, vector<16xi32> -> vector<16xi32>
      %min3A_619 = arith.minsi %select_n3A_612, %gather3A_618 : vector<16xi32>
      %xor3A_620 = arith.constant 4 : i32
      %xor3A_621 = vector.broadcast %xor3A_620 : i32 to vector<16xi32>
      %xor3A_622 = arith.xori %iota3A, %xor3A_621 : vector<16xi32>
      %broadcast_in_dim3A_623 = vector.shape_cast %xor3A_622 : vector<16xi32> to vector<16x1xi32>
      %gather3A_624 = vector.shape_cast %broadcast_in_dim3A_623 : vector<16x1xi32> to vector<16xi32>
      %gather3A_625 = tpu.dynamic_gather %min3A_619[%gather3A_624] in [0] : vector<16xi32>, vector<16xi32> -> vector<16xi32>
      %min3A_626 = arith.minsi %min3A_619, %gather3A_625 : vector<16xi32>
      %xor3A_627 = arith.constant 2 : i32
      %xor3A_628 = vector.broadcast %xor3A_627 : i32 to vector<16xi32>
      %xor3A_629 = arith.xori %iota3A, %xor3A_628 : vector<16xi32>
      %broadcast_in_dim3A_630 = vector.shape_cast %xor3A_629 : vector<16xi32> to vector<16x1xi32>
      %gather3A_631 = vector.shape_cast %broadcast_in_dim3A_630 : vector<16x1xi32> to vector<16xi32>
      %gather3A_632 = tpu.dynamic_gather %min3A_626[%gather3A_631] in [0] : vector<16xi32>, vector<16xi32> -> vector<16xi32>
      %min3A_633 = arith.minsi %min3A_626, %gather3A_632 : vector<16xi32>
      %xor3A_634 = arith.constant 1 : i32
      %xor3A_635 = vector.broadcast %xor3A_634 : i32 to vector<16xi32>
      %xor3A_636 = arith.xori %iota3A, %xor3A_635 : vector<16xi32>
      %broadcast_in_dim3A_637 = vector.shape_cast %xor3A_636 : vector<16xi32> to vector<16x1xi32>
      %gather3A_638 = vector.shape_cast %broadcast_in_dim3A_637 : vector<16x1xi32> to vector<16xi32>
      %gather3A_639 = tpu.dynamic_gather %min3A_633[%gather3A_638] in [0] : vector<16xi32>, vector<16xi32> -> vector<16xi32>
      %min3A_640 = arith.minsi %min3A_633, %gather3A_639 : vector<16xi32>
      %sub3A_641 = arith.subf %max3A_608, %max3A_545 : vector<16xf32>
      %exp3A_642 = math.exp %sub3A_641 : vector<16xf32>
      %add3A_643 = arith.constant 1.000000e+00 : f32
      %add3A_644 = vector.broadcast %add3A_643 : f32 to vector<16xf32>
      %add3A_645 = arith.addf %add3A_644, %exp3A_642 : vector<16xf32>
      %div3A_646 = arith.constant 1.000000e+00 : f32
      %div3A_647 = vector.broadcast %div3A_646 : f32 to vector<16xf32>
      %div3A_648 = arith.divf %div3A_647, %add3A_645 : vector<16xf32>
      %eq3A_649 = arith.constant 0 : i32
      %eq3A_650 = vector.broadcast %eq3A_649 : i32 to vector<16xi32>
      %eq3A_651 = arith.cmpi eq, %select_n3A_17, %eq3A_650 : vector<16xi32>
      %convert_element_type3A_652 = arith.sitofp %min3A_577 : vector<16xi32> to vector<16xf32>
      %eq3A_653 = arith.constant 1 : i32
      %eq3A_654 = vector.broadcast %eq3A_653 : i32 to vector<16xi32>
      %eq3A_655 = arith.cmpi eq, %select_n3A_17, %eq3A_654 : vector<16xi32>
      %eq3A_656 = arith.constant 2 : i32
      %eq3A_657 = vector.broadcast %eq3A_656 : i32 to vector<16xi32>
      %eq3A_658 = arith.cmpi eq, %select_n3A_17, %eq3A_657 : vector<16xi32>
      %convert_element_type3A_659 = arith.sitofp %min3A_640 : vector<16xi32> to vector<16xf32>
      %mul3A_660 = arith.mulf %exp3A_642, %div3A_648 : vector<16xf32>
      %select_n3A_661 = arith.select %eq3A_658, %convert_element_type3A_659, %mul3A_660 : vector<16xi1>, vector<16xf32>
      %select_n3A_662 = arith.select %eq3A_655, %div3A_648, %select_n3A_661 : vector<16xi1>, vector<16xf32>
      %select_n3A_663 = arith.select %eq3A_651, %convert_element_type3A_652, %select_n3A_662 : vector<16xi1>, vector<16xf32>
      %swap3A_664 = arith.index_cast %scan3A_513 : i32 to index
      %swap3A_665 = arith.constant 0 : index
      %swap3A_666 = tpu.vector_load %arg5[%swap3A_664, %swap3A_665] {strides = array<i32>} : memref<256x16xf32, #tpu.memory_space<vmem>>, vector<1x16xf32>,
      %swap3A_667 = vector.shape_cast %swap3A_666 : vector<1x16xf32> to vector<16xf32>
      %swap3A_668 = vector.shape_cast %select_n3A_663 : vector<16xf32> to vector<1x16xf32>
      tpu.vector_store %arg5[%swap3A_664, %swap3A_665], %swap3A_668 {strides = array<i32>} : memref<256x16xf32, #tpu.memory_space<vmem>>, vector<1x16xf32>,
      %scan3A_669 = arith.constant 4 : i32
      %scan3A_670 = arith.addi %scan3A_51, %scan3A_669 : i32
      %get3A_671 = arith.index_cast %scan3A_670 : i32 to index
      %get3A_672 = arith.constant 0 : index
      %get3A_673 = tpu.vector_load %arg4[%get3A_671, %get3A_672] {strides = array<i32>} : memref<256x16xf32, #tpu.memory_space<vmem>>, vector<1x16xf32>,
      %get3A_674 = vector.shape_cast %get3A_673 : vector<1x16xf32> to vector<16xf32>
      %xor3A_675 = arith.constant 8 : i32
      %xor3A_676 = vector.broadcast %xor3A_675 : i32 to vector<16xi32>
      %xor3A_677 = arith.xori %iota3A, %xor3A_676 : vector<16xi32>
      %broadcast_in_dim3A_678 = vector.shape_cast %xor3A_677 : vector<16xi32> to vector<16x1xi32>
      %gather3A_679 = vector.shape_cast %broadcast_in_dim3A_678 : vector<16x1xi32> to vector<16xi32>
      %gather3A_680 = tpu.dynamic_gather %get3A_674[%gather3A_679] in [0] : vector<16xf32>, vector<16xi32> -> vector<16xf32>
      %max3A_681 = arith.maximumf %get3A_674, %gather3A_680 : vector<16xf32>
      %xor3A_682 = arith.constant 4 : i32
      %xor3A_683 = vector.broadcast %xor3A_682 : i32 to vector<16xi32>
      %xor3A_684 = arith.xori %iota3A, %xor3A_683 : vector<16xi32>
      %broadcast_in_dim3A_685 = vector.shape_cast %xor3A_684 : vector<16xi32> to vector<16x1xi32>
      %gather3A_686 = vector.shape_cast %broadcast_in_dim3A_685 : vector<16x1xi32> to vector<16xi32>
      %gather3A_687 = tpu.dynamic_gather %max3A_681[%gather3A_686] in [0] : vector<16xf32>, vector<16xi32> -> vector<16xf32>
      %max3A_688 = arith.maximumf %max3A_681, %gather3A_687 : vector<16xf32>
      %xor3A_689 = arith.constant 2 : i32
      %xor3A_690 = vector.broadcast %xor3A_689 : i32 to vector<16xi32>
      %xor3A_691 = arith.xori %iota3A, %xor3A_690 : vector<16xi32>
      %broadcast_in_dim3A_692 = vector.shape_cast %xor3A_691 : vector<16xi32> to vector<16x1xi32>
      %gather3A_693 = vector.shape_cast %broadcast_in_dim3A_692 : vector<16x1xi32> to vector<16xi32>
      %gather3A_694 = tpu.dynamic_gather %max3A_688[%gather3A_693] in [0] : vector<16xf32>, vector<16xi32> -> vector<16xf32>
      %max3A_695 = arith.maximumf %max3A_688, %gather3A_694 : vector<16xf32>
      %xor3A_696 = arith.constant 1 : i32
      %xor3A_697 = vector.broadcast %xor3A_696 : i32 to vector<16xi32>
      %xor3A_698 = arith.xori %iota3A, %xor3A_697 : vector<16xi32>
      %broadcast_in_dim3A_699 = vector.shape_cast %xor3A_698 : vector<16xi32> to vector<16x1xi32>
      %gather3A_700 = vector.shape_cast %broadcast_in_dim3A_699 : vector<16x1xi32> to vector<16xi32>
      %gather3A_701 = tpu.dynamic_gather %max3A_695[%gather3A_700] in [0] : vector<16xf32>, vector<16xi32> -> vector<16xf32>
      %max3A_702 = arith.maximumf %max3A_695, %gather3A_701 : vector<16xf32>
      %eq3A_703 = arith.cmpf oeq, %get3A_674, %max3A_702 : vector<16xf32>
      %jit3A_704 = arith.constant 16 : i32
      %broadcast_in_dim3A_705 = vector.broadcast %jit3A_704 : i32 to vector<16xi32>
      %select_n3A_706 = arith.select %eq3A_703, %iota3A, %broadcast_in_dim3A_705 : vector<16xi1>, vector<16xi32>
      %xor3A_707 = arith.constant 8 : i32
      %xor3A_708 = vector.broadcast %xor3A_707 : i32 to vector<16xi32>
      %xor3A_709 = arith.xori %iota3A, %xor3A_708 : vector<16xi32>
      %broadcast_in_dim3A_710 = vector.shape_cast %xor3A_709 : vector<16xi32> to vector<16x1xi32>
      %gather3A_711 = vector.shape_cast %broadcast_in_dim3A_710 : vector<16x1xi32> to vector<16xi32>
      %gather3A_712 = tpu.dynamic_gather %select_n3A_706[%gather3A_711] in [0] : vector<16xi32>, vector<16xi32> -> vector<16xi32>
      %min3A_713 = arith.minsi %select_n3A_706, %gather3A_712 : vector<16xi32>
      %xor3A_714 = arith.constant 4 : i32
      %xor3A_715 = vector.broadcast %xor3A_714 : i32 to vector<16xi32>
      %xor3A_716 = arith.xori %iota3A, %xor3A_715 : vector<16xi32>
      %broadcast_in_dim3A_717 = vector.shape_cast %xor3A_716 : vector<16xi32> to vector<16x1xi32>
      %gather3A_718 = vector.shape_cast %broadcast_in_dim3A_717 : vector<16x1xi32> to vector<16xi32>
      %gather3A_719 = tpu.dynamic_gather %min3A_713[%gather3A_718] in [0] : vector<16xi32>, vector<16xi32> -> vector<16xi32>
      %min3A_720 = arith.minsi %min3A_713, %gather3A_719 : vector<16xi32>
      %xor3A_721 = arith.constant 2 : i32
      %xor3A_722 = vector.broadcast %xor3A_721 : i32 to vector<16xi32>
      %xor3A_723 = arith.xori %iota3A, %xor3A_722 : vector<16xi32>
      %broadcast_in_dim3A_724 = vector.shape_cast %xor3A_723 : vector<16xi32> to vector<16x1xi32>
      %gather3A_725 = vector.shape_cast %broadcast_in_dim3A_724 : vector<16x1xi32> to vector<16xi32>
      %gather3A_726 = tpu.dynamic_gather %min3A_720[%gather3A_725] in [0] : vector<16xi32>, vector<16xi32> -> vector<16xi32>
      %min3A_727 = arith.minsi %min3A_720, %gather3A_726 : vector<16xi32>
      %xor3A_728 = arith.constant 1 : i32
      %xor3A_729 = vector.broadcast %xor3A_728 : i32 to vector<16xi32>
      %xor3A_730 = arith.xori %iota3A, %xor3A_729 : vector<16xi32>
      %broadcast_in_dim3A_731 = vector.shape_cast %xor3A_730 : vector<16xi32> to vector<16x1xi32>
      %gather3A_732 = vector.shape_cast %broadcast_in_dim3A_731 : vector<16x1xi32> to vector<16xi32>
      %gather3A_733 = tpu.dynamic_gather %min3A_727[%gather3A_732] in [0] : vector<16xi32>, vector<16xi32> -> vector<16xi32>
      %min3A_734 = arith.minsi %min3A_727, %gather3A_733 : vector<16xi32>
      %eq3A_735 = arith.cmpi eq, %iota3A, %min3A_734 : vector<16xi32>
      %broadcast_in_dim3A_736 = vector.broadcast %scan3A : f32 to vector<16xf32>
      %select_n3A_737 = arith.select %eq3A_735, %broadcast_in_dim3A_736, %get3A_674 : vector<16xi1>, vector<16xf32>
      %xor3A_738 = arith.constant 8 : i32
      %xor3A_739 = vector.broadcast %xor3A_738 : i32 to vector<16xi32>
      %xor3A_740 = arith.xori %iota3A, %xor3A_739 : vector<16xi32>
      %broadcast_in_dim3A_741 = vector.shape_cast %xor3A_740 : vector<16xi32> to vector<16x1xi32>
      %gather3A_742 = vector.shape_cast %broadcast_in_dim3A_741 : vector<16x1xi32> to vector<16xi32>
      %gather3A_743 = tpu.dynamic_gather %select_n3A_737[%gather3A_742] in [0] : vector<16xf32>, vector<16xi32> -> vector<16xf32>
      %max3A_744 = arith.maximumf %select_n3A_737, %gather3A_743 : vector<16xf32>
      %xor3A_745 = arith.constant 4 : i32
      %xor3A_746 = vector.broadcast %xor3A_745 : i32 to vector<16xi32>
      %xor3A_747 = arith.xori %iota3A, %xor3A_746 : vector<16xi32>
      %broadcast_in_dim3A_748 = vector.shape_cast %xor3A_747 : vector<16xi32> to vector<16x1xi32>
      %gather3A_749 = vector.shape_cast %broadcast_in_dim3A_748 : vector<16x1xi32> to vector<16xi32>
      %gather3A_750 = tpu.dynamic_gather %max3A_744[%gather3A_749] in [0] : vector<16xf32>, vector<16xi32> -> vector<16xf32>
      %max3A_751 = arith.maximumf %max3A_744, %gather3A_750 : vector<16xf32>
      %xor3A_752 = arith.constant 2 : i32
      %xor3A_753 = vector.broadcast %xor3A_752 : i32 to vector<16xi32>
      %xor3A_754 = arith.xori %iota3A, %xor3A_753 : vector<16xi32>
      %broadcast_in_dim3A_755 = vector.shape_cast %xor3A_754 : vector<16xi32> to vector<16x1xi32>
      %gather3A_756 = vector.shape_cast %broadcast_in_dim3A_755 : vector<16x1xi32> to vector<16xi32>
      %gather3A_757 = tpu.dynamic_gather %max3A_751[%gather3A_756] in [0] : vector<16xf32>, vector<16xi32> -> vector<16xf32>
      %max3A_758 = arith.maximumf %max3A_751, %gather3A_757 : vector<16xf32>
      %xor3A_759 = arith.constant 1 : i32
      %xor3A_760 = vector.broadcast %xor3A_759 : i32 to vector<16xi32>
      %xor3A_761 = arith.xori %iota3A, %xor3A_760 : vector<16xi32>
      %broadcast_in_dim3A_762 = vector.shape_cast %xor3A_761 : vector<16xi32> to vector<16x1xi32>
      %gather3A_763 = vector.shape_cast %broadcast_in_dim3A_762 : vector<16x1xi32> to vector<16xi32>
      %gather3A_764 = tpu.dynamic_gather %max3A_758[%gather3A_763] in [0] : vector<16xf32>, vector<16xi32> -> vector<16xf32>
      %max3A_765 = arith.maximumf %max3A_758, %gather3A_764 : vector<16xf32>
      %eq3A_766 = arith.cmpf oeq, %select_n3A_737, %max3A_765 : vector<16xf32>
      %jit3A_767 = arith.constant 16 : i32
      %broadcast_in_dim3A_768 = vector.broadcast %jit3A_767 : i32 to vector<16xi32>
      %select_n3A_769 = arith.select %eq3A_766, %iota3A, %broadcast_in_dim3A_768 : vector<16xi1>, vector<16xi32>
      %xor3A_770 = arith.constant 8 : i32
      %xor3A_771 = vector.broadcast %xor3A_770 : i32 to vector<16xi32>
      %xor3A_772 = arith.xori %iota3A, %xor3A_771 : vector<16xi32>
      %broadcast_in_dim3A_773 = vector.shape_cast %xor3A_772 : vector<16xi32> to vector<16x1xi32>
      %gather3A_774 = vector.shape_cast %broadcast_in_dim3A_773 : vector<16x1xi32> to vector<16xi32>
      %gather3A_775 = tpu.dynamic_gather %select_n3A_769[%gather3A_774] in [0] : vector<16xi32>, vector<16xi32> -> vector<16xi32>
      %min3A_776 = arith.minsi %select_n3A_769, %gather3A_775 : vector<16xi32>
      %xor3A_777 = arith.constant 4 : i32
      %xor3A_778 = vector.broadcast %xor3A_777 : i32 to vector<16xi32>
      %xor3A_779 = arith.xori %iota3A, %xor3A_778 : vector<16xi32>
      %broadcast_in_dim3A_780 = vector.shape_cast %xor3A_779 : vector<16xi32> to vector<16x1xi32>
      %gather3A_781 = vector.shape_cast %broadcast_in_dim3A_780 : vector<16x1xi32> to vector<16xi32>
      %gather3A_782 = tpu.dynamic_gather %min3A_776[%gather3A_781] in [0] : vector<16xi32>, vector<16xi32> -> vector<16xi32>
      %min3A_783 = arith.minsi %min3A_776, %gather3A_782 : vector<16xi32>
      %xor3A_784 = arith.constant 2 : i32
      %xor3A_785 = vector.broadcast %xor3A_784 : i32 to vector<16xi32>
      %xor3A_786 = arith.xori %iota3A, %xor3A_785 : vector<16xi32>
      %broadcast_in_dim3A_787 = vector.shape_cast %xor3A_786 : vector<16xi32> to vector<16x1xi32>
      %gather3A_788 = vector.shape_cast %broadcast_in_dim3A_787 : vector<16x1xi32> to vector<16xi32>
      %gather3A_789 = tpu.dynamic_gather %min3A_783[%gather3A_788] in [0] : vector<16xi32>, vector<16xi32> -> vector<16xi32>
      %min3A_790 = arith.minsi %min3A_783, %gather3A_789 : vector<16xi32>
      %xor3A_791 = arith.constant 1 : i32
      %xor3A_792 = vector.broadcast %xor3A_791 : i32 to vector<16xi32>
      %xor3A_793 = arith.xori %iota3A, %xor3A_792 : vector<16xi32>
      %broadcast_in_dim3A_794 = vector.shape_cast %xor3A_793 : vector<16xi32> to vector<16x1xi32>
      %gather3A_795 = vector.shape_cast %broadcast_in_dim3A_794 : vector<16x1xi32> to vector<16xi32>
      %gather3A_796 = tpu.dynamic_gather %min3A_790[%gather3A_795] in [0] : vector<16xi32>, vector<16xi32> -> vector<16xi32>
      %min3A_797 = arith.minsi %min3A_790, %gather3A_796 : vector<16xi32>
      %sub3A_798 = arith.subf %max3A_765, %max3A_702 : vector<16xf32>
      %exp3A_799 = math.exp %sub3A_798 : vector<16xf32>
      %add3A_800 = arith.constant 1.000000e+00 : f32
      %add3A_801 = vector.broadcast %add3A_800 : f32 to vector<16xf32>
      %add3A_802 = arith.addf %add3A_801, %exp3A_799 : vector<16xf32>
      %div3A_803 = arith.constant 1.000000e+00 : f32
      %div3A_804 = vector.broadcast %div3A_803 : f32 to vector<16xf32>
      %div3A_805 = arith.divf %div3A_804, %add3A_802 : vector<16xf32>
      %eq3A_806 = arith.constant 0 : i32
      %eq3A_807 = vector.broadcast %eq3A_806 : i32 to vector<16xi32>
      %eq3A_808 = arith.cmpi eq, %select_n3A_17, %eq3A_807 : vector<16xi32>
      %convert_element_type3A_809 = arith.sitofp %min3A_734 : vector<16xi32> to vector<16xf32>
      %eq3A_810 = arith.constant 1 : i32
      %eq3A_811 = vector.broadcast %eq3A_810 : i32 to vector<16xi32>
      %eq3A_812 = arith.cmpi eq, %select_n3A_17, %eq3A_811 : vector<16xi32>
      %eq3A_813 = arith.constant 2 : i32
      %eq3A_814 = vector.broadcast %eq3A_813 : i32 to vector<16xi32>
      %eq3A_815 = arith.cmpi eq, %select_n3A_17, %eq3A_814 : vector<16xi32>
      %convert_element_type3A_816 = arith.sitofp %min3A_797 : vector<16xi32> to vector<16xf32>
      %mul3A_817 = arith.mulf %exp3A_799, %div3A_805 : vector<16xf32>
      %select_n3A_818 = arith.select %eq3A_815, %convert_element_type3A_816, %mul3A_817 : vector<16xi1>, vector<16xf32>
      %select_n3A_819 = arith.select %eq3A_812, %div3A_805, %select_n3A_818 : vector<16xi1>, vector<16xf32>
      %select_n3A_820 = arith.select %eq3A_808, %convert_element_type3A_809, %select_n3A_819 : vector<16xi1>, vector<16xf32>
      %swap3A_821 = arith.index_cast %scan3A_670 : i32 to index
      %swap3A_822 = arith.constant 0 : index
      %swap3A_823 = tpu.vector_load %arg5[%swap3A_821, %swap3A_822] {strides = array<i32>} : memref<256x16xf32, #tpu.memory_space<vmem>>, vector<1x16xf32>,
      %swap3A_824 = vector.shape_cast %swap3A_823 : vector<1x16xf32> to vector<16xf32>
      %swap3A_825 = vector.shape_cast %select_n3A_820 : vector<16xf32> to vector<1x16xf32>
      tpu.vector_store %arg5[%swap3A_821, %swap3A_822], %swap3A_825 {strides = array<i32>} : memref<256x16xf32, #tpu.memory_space<vmem>>, vector<1x16xf32>,
      %scan3A_826 = arith.constant 5 : i32
      %scan3A_827 = arith.addi %scan3A_51, %scan3A_826 : i32
      %get3A_828 = arith.index_cast %scan3A_827 : i32 to index
      %get3A_829 = arith.constant 0 : index
      %get3A_830 = tpu.vector_load %arg4[%get3A_828, %get3A_829] {strides = array<i32>} : memref<256x16xf32, #tpu.memory_space<vmem>>, vector<1x16xf32>,
      %get3A_831 = vector.shape_cast %get3A_830 : vector<1x16xf32> to vector<16xf32>
      %xor3A_832 = arith.constant 8 : i32
      %xor3A_833 = vector.broadcast %xor3A_832 : i32 to vector<16xi32>
      %xor3A_834 = arith.xori %iota3A, %xor3A_833 : vector<16xi32>
      %broadcast_in_dim3A_835 = vector.shape_cast %xor3A_834 : vector<16xi32> to vector<16x1xi32>
      %gather3A_836 = vector.shape_cast %broadcast_in_dim3A_835 : vector<16x1xi32> to vector<16xi32>
      %gather3A_837 = tpu.dynamic_gather %get3A_831[%gather3A_836] in [0] : vector<16xf32>, vector<16xi32> -> vector<16xf32>
      %max3A_838 = arith.maximumf %get3A_831, %gather3A_837 : vector<16xf32>
      %xor3A_839 = arith.constant 4 : i32
      %xor3A_840 = vector.broadcast %xor3A_839 : i32 to vector<16xi32>
      %xor3A_841 = arith.xori %iota3A, %xor3A_840 : vector<16xi32>
      %broadcast_in_dim3A_842 = vector.shape_cast %xor3A_841 : vector<16xi32> to vector<16x1xi32>
      %gather3A_843 = vector.shape_cast %broadcast_in_dim3A_842 : vector<16x1xi32> to vector<16xi32>
      %gather3A_844 = tpu.dynamic_gather %max3A_838[%gather3A_843] in [0] : vector<16xf32>, vector<16xi32> -> vector<16xf32>
      %max3A_845 = arith.maximumf %max3A_838, %gather3A_844 : vector<16xf32>
      %xor3A_846 = arith.constant 2 : i32
      %xor3A_847 = vector.broadcast %xor3A_846 : i32 to vector<16xi32>
      %xor3A_848 = arith.xori %iota3A, %xor3A_847 : vector<16xi32>
      %broadcast_in_dim3A_849 = vector.shape_cast %xor3A_848 : vector<16xi32> to vector<16x1xi32>
      %gather3A_850 = vector.shape_cast %broadcast_in_dim3A_849 : vector<16x1xi32> to vector<16xi32>
      %gather3A_851 = tpu.dynamic_gather %max3A_845[%gather3A_850] in [0] : vector<16xf32>, vector<16xi32> -> vector<16xf32>
      %max3A_852 = arith.maximumf %max3A_845, %gather3A_851 : vector<16xf32>
      %xor3A_853 = arith.constant 1 : i32
      %xor3A_854 = vector.broadcast %xor3A_853 : i32 to vector<16xi32>
      %xor3A_855 = arith.xori %iota3A, %xor3A_854 : vector<16xi32>
      %broadcast_in_dim3A_856 = vector.shape_cast %xor3A_855 : vector<16xi32> to vector<16x1xi32>
      %gather3A_857 = vector.shape_cast %broadcast_in_dim3A_856 : vector<16x1xi32> to vector<16xi32>
      %gather3A_858 = tpu.dynamic_gather %max3A_852[%gather3A_857] in [0] : vector<16xf32>, vector<16xi32> -> vector<16xf32>
      %max3A_859 = arith.maximumf %max3A_852, %gather3A_858 : vector<16xf32>
      %eq3A_860 = arith.cmpf oeq, %get3A_831, %max3A_859 : vector<16xf32>
      %jit3A_861 = arith.constant 16 : i32
      %broadcast_in_dim3A_862 = vector.broadcast %jit3A_861 : i32 to vector<16xi32>
      %select_n3A_863 = arith.select %eq3A_860, %iota3A, %broadcast_in_dim3A_862 : vector<16xi1>, vector<16xi32>
      %xor3A_864 = arith.constant 8 : i32
      %xor3A_865 = vector.broadcast %xor3A_864 : i32 to vector<16xi32>
      %xor3A_866 = arith.xori %iota3A, %xor3A_865 : vector<16xi32>
      %broadcast_in_dim3A_867 = vector.shape_cast %xor3A_866 : vector<16xi32> to vector<16x1xi32>
      %gather3A_868 = vector.shape_cast %broadcast_in_dim3A_867 : vector<16x1xi32> to vector<16xi32>
      %gather3A_869 = tpu.dynamic_gather %select_n3A_863[%gather3A_868] in [0] : vector<16xi32>, vector<16xi32> -> vector<16xi32>
      %min3A_870 = arith.minsi %select_n3A_863, %gather3A_869 : vector<16xi32>
      %xor3A_871 = arith.constant 4 : i32
      %xor3A_872 = vector.broadcast %xor3A_871 : i32 to vector<16xi32>
      %xor3A_873 = arith.xori %iota3A, %xor3A_872 : vector<16xi32>
      %broadcast_in_dim3A_874 = vector.shape_cast %xor3A_873 : vector<16xi32> to vector<16x1xi32>
      %gather3A_875 = vector.shape_cast %broadcast_in_dim3A_874 : vector<16x1xi32> to vector<16xi32>
      %gather3A_876 = tpu.dynamic_gather %min3A_870[%gather3A_875] in [0] : vector<16xi32>, vector<16xi32> -> vector<16xi32>
      %min3A_877 = arith.minsi %min3A_870, %gather3A_876 : vector<16xi32>
      %xor3A_878 = arith.constant 2 : i32
      %xor3A_879 = vector.broadcast %xor3A_878 : i32 to vector<16xi32>
      %xor3A_880 = arith.xori %iota3A, %xor3A_879 : vector<16xi32>
      %broadcast_in_dim3A_881 = vector.shape_cast %xor3A_880 : vector<16xi32> to vector<16x1xi32>
      %gather3A_882 = vector.shape_cast %broadcast_in_dim3A_881 : vector<16x1xi32> to vector<16xi32>
      %gather3A_883 = tpu.dynamic_gather %min3A_877[%gather3A_882] in [0] : vector<16xi32>, vector<16xi32> -> vector<16xi32>
      %min3A_884 = arith.minsi %min3A_877, %gather3A_883 : vector<16xi32>
      %xor3A_885 = arith.constant 1 : i32
      %xor3A_886 = vector.broadcast %xor3A_885 : i32 to vector<16xi32>
      %xor3A_887 = arith.xori %iota3A, %xor3A_886 : vector<16xi32>
      %broadcast_in_dim3A_888 = vector.shape_cast %xor3A_887 : vector<16xi32> to vector<16x1xi32>
      %gather3A_889 = vector.shape_cast %broadcast_in_dim3A_888 : vector<16x1xi32> to vector<16xi32>
      %gather3A_890 = tpu.dynamic_gather %min3A_884[%gather3A_889] in [0] : vector<16xi32>, vector<16xi32> -> vector<16xi32>
      %min3A_891 = arith.minsi %min3A_884, %gather3A_890 : vector<16xi32>
      %eq3A_892 = arith.cmpi eq, %iota3A, %min3A_891 : vector<16xi32>
      %broadcast_in_dim3A_893 = vector.broadcast %scan3A : f32 to vector<16xf32>
      %select_n3A_894 = arith.select %eq3A_892, %broadcast_in_dim3A_893, %get3A_831 : vector<16xi1>, vector<16xf32>
      %xor3A_895 = arith.constant 8 : i32
      %xor3A_896 = vector.broadcast %xor3A_895 : i32 to vector<16xi32>
      %xor3A_897 = arith.xori %iota3A, %xor3A_896 : vector<16xi32>
      %broadcast_in_dim3A_898 = vector.shape_cast %xor3A_897 : vector<16xi32> to vector<16x1xi32>
      %gather3A_899 = vector.shape_cast %broadcast_in_dim3A_898 : vector<16x1xi32> to vector<16xi32>
      %gather3A_900 = tpu.dynamic_gather %select_n3A_894[%gather3A_899] in [0] : vector<16xf32>, vector<16xi32> -> vector<16xf32>
      %max3A_901 = arith.maximumf %select_n3A_894, %gather3A_900 : vector<16xf32>
      %xor3A_902 = arith.constant 4 : i32
      %xor3A_903 = vector.broadcast %xor3A_902 : i32 to vector<16xi32>
      %xor3A_904 = arith.xori %iota3A, %xor3A_903 : vector<16xi32>
      %broadcast_in_dim3A_905 = vector.shape_cast %xor3A_904 : vector<16xi32> to vector<16x1xi32>
      %gather3A_906 = vector.shape_cast %broadcast_in_dim3A_905 : vector<16x1xi32> to vector<16xi32>
      %gather3A_907 = tpu.dynamic_gather %max3A_901[%gather3A_906] in [0] : vector<16xf32>, vector<16xi32> -> vector<16xf32>
      %max3A_908 = arith.maximumf %max3A_901, %gather3A_907 : vector<16xf32>
      %xor3A_909 = arith.constant 2 : i32
      %xor3A_910 = vector.broadcast %xor3A_909 : i32 to vector<16xi32>
      %xor3A_911 = arith.xori %iota3A, %xor3A_910 : vector<16xi32>
      %broadcast_in_dim3A_912 = vector.shape_cast %xor3A_911 : vector<16xi32> to vector<16x1xi32>
      %gather3A_913 = vector.shape_cast %broadcast_in_dim3A_912 : vector<16x1xi32> to vector<16xi32>
      %gather3A_914 = tpu.dynamic_gather %max3A_908[%gather3A_913] in [0] : vector<16xf32>, vector<16xi32> -> vector<16xf32>
      %max3A_915 = arith.maximumf %max3A_908, %gather3A_914 : vector<16xf32>
      %xor3A_916 = arith.constant 1 : i32
      %xor3A_917 = vector.broadcast %xor3A_916 : i32 to vector<16xi32>
      %xor3A_918 = arith.xori %iota3A, %xor3A_917 : vector<16xi32>
      %broadcast_in_dim3A_919 = vector.shape_cast %xor3A_918 : vector<16xi32> to vector<16x1xi32>
      %gather3A_920 = vector.shape_cast %broadcast_in_dim3A_919 : vector<16x1xi32> to vector<16xi32>
      %gather3A_921 = tpu.dynamic_gather %max3A_915[%gather3A_920] in [0] : vector<16xf32>, vector<16xi32> -> vector<16xf32>
      %max3A_922 = arith.maximumf %max3A_915, %gather3A_921 : vector<16xf32>
      %eq3A_923 = arith.cmpf oeq, %select_n3A_894, %max3A_922 : vector<16xf32>
      %jit3A_924 = arith.constant 16 : i32
      %broadcast_in_dim3A_925 = vector.broadcast %jit3A_924 : i32 to vector<16xi32>
      %select_n3A_926 = arith.select %eq3A_923, %iota3A, %broadcast_in_dim3A_925 : vector<16xi1>, vector<16xi32>
      %xor3A_927 = arith.constant 8 : i32
      %xor3A_928 = vector.broadcast %xor3A_927 : i32 to vector<16xi32>
      %xor3A_929 = arith.xori %iota3A, %xor3A_928 : vector<16xi32>
      %broadcast_in_dim3A_930 = vector.shape_cast %xor3A_929 : vector<16xi32> to vector<16x1xi32>
      %gather3A_931 = vector.shape_cast %broadcast_in_dim3A_930 : vector<16x1xi32> to vector<16xi32>
      %gather3A_932 = tpu.dynamic_gather %select_n3A_926[%gather3A_931] in [0] : vector<16xi32>, vector<16xi32> -> vector<16xi32>
      %min3A_933 = arith.minsi %select_n3A_926, %gather3A_932 : vector<16xi32>
      %xor3A_934 = arith.constant 4 : i32
      %xor3A_935 = vector.broadcast %xor3A_934 : i32 to vector<16xi32>
      %xor3A_936 = arith.xori %iota3A, %xor3A_935 : vector<16xi32>
      %broadcast_in_dim3A_937 = vector.shape_cast %xor3A_936 : vector<16xi32> to vector<16x1xi32>
      %gather3A_938 = vector.shape_cast %broadcast_in_dim3A_937 : vector<16x1xi32> to vector<16xi32>
      %gather3A_939 = tpu.dynamic_gather %min3A_933[%gather3A_938] in [0] : vector<16xi32>, vector<16xi32> -> vector<16xi32>
      %min3A_940 = arith.minsi %min3A_933, %gather3A_939 : vector<16xi32>
      %xor3A_941 = arith.constant 2 : i32
      %xor3A_942 = vector.broadcast %xor3A_941 : i32 to vector<16xi32>
      %xor3A_943 = arith.xori %iota3A, %xor3A_942 : vector<16xi32>
      %broadcast_in_dim3A_944 = vector.shape_cast %xor3A_943 : vector<16xi32> to vector<16x1xi32>
      %gather3A_945 = vector.shape_cast %broadcast_in_dim3A_944 : vector<16x1xi32> to vector<16xi32>
      %gather3A_946 = tpu.dynamic_gather %min3A_940[%gather3A_945] in [0] : vector<16xi32>, vector<16xi32> -> vector<16xi32>
      %min3A_947 = arith.minsi %min3A_940, %gather3A_946 : vector<16xi32>
      %xor3A_948 = arith.constant 1 : i32
      %xor3A_949 = vector.broadcast %xor3A_948 : i32 to vector<16xi32>
      %xor3A_950 = arith.xori %iota3A, %xor3A_949 : vector<16xi32>
      %broadcast_in_dim3A_951 = vector.shape_cast %xor3A_950 : vector<16xi32> to vector<16x1xi32>
      %gather3A_952 = vector.shape_cast %broadcast_in_dim3A_951 : vector<16x1xi32> to vector<16xi32>
      %gather3A_953 = tpu.dynamic_gather %min3A_947[%gather3A_952] in [0] : vector<16xi32>, vector<16xi32> -> vector<16xi32>
      %min3A_954 = arith.minsi %min3A_947, %gather3A_953 : vector<16xi32>
      %sub3A_955 = arith.subf %max3A_922, %max3A_859 : vector<16xf32>
      %exp3A_956 = math.exp %sub3A_955 : vector<16xf32>
      %add3A_957 = arith.constant 1.000000e+00 : f32
      %add3A_958 = vector.broadcast %add3A_957 : f32 to vector<16xf32>
      %add3A_959 = arith.addf %add3A_958, %exp3A_956 : vector<16xf32>
      %div3A_960 = arith.constant 1.000000e+00 : f32
      %div3A_961 = vector.broadcast %div3A_960 : f32 to vector<16xf32>
      %div3A_962 = arith.divf %div3A_961, %add3A_959 : vector<16xf32>
      %eq3A_963 = arith.constant 0 : i32
      %eq3A_964 = vector.broadcast %eq3A_963 : i32 to vector<16xi32>
      %eq3A_965 = arith.cmpi eq, %select_n3A_17, %eq3A_964 : vector<16xi32>
      %convert_element_type3A_966 = arith.sitofp %min3A_891 : vector<16xi32> to vector<16xf32>
      %eq3A_967 = arith.constant 1 : i32
      %eq3A_968 = vector.broadcast %eq3A_967 : i32 to vector<16xi32>
      %eq3A_969 = arith.cmpi eq, %select_n3A_17, %eq3A_968 : vector<16xi32>
      %eq3A_970 = arith.constant 2 : i32
      %eq3A_971 = vector.broadcast %eq3A_970 : i32 to vector<16xi32>
      %eq3A_972 = arith.cmpi eq, %select_n3A_17, %eq3A_971 : vector<16xi32>
      %convert_element_type3A_973 = arith.sitofp %min3A_954 : vector<16xi32> to vector<16xf32>
      %mul3A_974 = arith.mulf %exp3A_956, %div3A_962 : vector<16xf32>
      %select_n3A_975 = arith.select %eq3A_972, %convert_element_type3A_973, %mul3A_974 : vector<16xi1>, vector<16xf32>
      %select_n3A_976 = arith.select %eq3A_969, %div3A_962, %select_n3A_975 : vector<16xi1>, vector<16xf32>
      %select_n3A_977 = arith.select %eq3A_965, %convert_element_type3A_966, %select_n3A_976 : vector<16xi1>, vector<16xf32>
      %swap3A_978 = arith.index_cast %scan3A_827 : i32 to index
      %swap3A_979 = arith.constant 0 : index
      %swap3A_980 = tpu.vector_load %arg5[%swap3A_978, %swap3A_979] {strides = array<i32>} : memref<256x16xf32, #tpu.memory_space<vmem>>, vector<1x16xf32>,
      %swap3A_981 = vector.shape_cast %swap3A_980 : vector<1x16xf32> to vector<16xf32>
      %swap3A_982 = vector.shape_cast %select_n3A_977 : vector<16xf32> to vector<1x16xf32>
      tpu.vector_store %arg5[%swap3A_978, %swap3A_979], %swap3A_982 {strides = array<i32>} : memref<256x16xf32, #tpu.memory_space<vmem>>, vector<1x16xf32>,
      %scan3A_983 = arith.constant 6 : i32
      %scan3A_984 = arith.addi %scan3A_51, %scan3A_983 : i32
      %get3A_985 = arith.index_cast %scan3A_984 : i32 to index
      %get3A_986 = arith.constant 0 : index
      %get3A_987 = tpu.vector_load %arg4[%get3A_985, %get3A_986] {strides = array<i32>} : memref<256x16xf32, #tpu.memory_space<vmem>>, vector<1x16xf32>,
      %get3A_988 = vector.shape_cast %get3A_987 : vector<1x16xf32> to vector<16xf32>
      %xor3A_989 = arith.constant 8 : i32
      %xor3A_990 = vector.broadcast %xor3A_989 : i32 to vector<16xi32>
      %xor3A_991 = arith.xori %iota3A, %xor3A_990 : vector<16xi32>
      %broadcast_in_dim3A_992 = vector.shape_cast %xor3A_991 : vector<16xi32> to vector<16x1xi32>
      %gather3A_993 = vector.shape_cast %broadcast_in_dim3A_992 : vector<16x1xi32> to vector<16xi32>
      %gather3A_994 = tpu.dynamic_gather %get3A_988[%gather3A_993] in [0] : vector<16xf32>, vector<16xi32> -> vector<16xf32>
      %max3A_995 = arith.maximumf %get3A_988, %gather3A_994 : vector<16xf32>
      %xor3A_996 = arith.constant 4 : i32
      %xor3A_997 = vector.broadcast %xor3A_996 : i32 to vector<16xi32>
      %xor3A_998 = arith.xori %iota3A, %xor3A_997 : vector<16xi32>
      %broadcast_in_dim3A_999 = vector.shape_cast %xor3A_998 : vector<16xi32> to vector<16x1xi32>
      %gather3A_1000 = vector.shape_cast %broadcast_in_dim3A_999 : vector<16x1xi32> to vector<16xi32>
      %gather3A_1001 = tpu.dynamic_gather %max3A_995[%gather3A_1000] in [0] : vector<16xf32>, vector<16xi32> -> vector<16xf32>
      %max3A_1002 = arith.maximumf %max3A_995, %gather3A_1001 : vector<16xf32>
      %xor3A_1003 = arith.constant 2 : i32
      %xor3A_1004 = vector.broadcast %xor3A_1003 : i32 to vector<16xi32>
      %xor3A_1005 = arith.xori %iota3A, %xor3A_1004 : vector<16xi32>
      %broadcast_in_dim3A_1006 = vector.shape_cast %xor3A_1005 : vector<16xi32> to vector<16x1xi32>
      %gather3A_1007 = vector.shape_cast %broadcast_in_dim3A_1006 : vector<16x1xi32> to vector<16xi32>
      %gather3A_1008 = tpu.dynamic_gather %max3A_1002[%gather3A_1007] in [0] : vector<16xf32>, vector<16xi32> -> vector<16xf32>
      %max3A_1009 = arith.maximumf %max3A_1002, %gather3A_1008 : vector<16xf32>
      %xor3A_1010 = arith.constant 1 : i32
      %xor3A_1011 = vector.broadcast %xor3A_1010 : i32 to vector<16xi32>
      %xor3A_1012 = arith.xori %iota3A, %xor3A_1011 : vector<16xi32>
      %broadcast_in_dim3A_1013 = vector.shape_cast %xor3A_1012 : vector<16xi32> to vector<16x1xi32>
      %gather3A_1014 = vector.shape_cast %broadcast_in_dim3A_1013 : vector<16x1xi32> to vector<16xi32>
      %gather3A_1015 = tpu.dynamic_gather %max3A_1009[%gather3A_1014] in [0] : vector<16xf32>, vector<16xi32> -> vector<16xf32>
      %max3A_1016 = arith.maximumf %max3A_1009, %gather3A_1015 : vector<16xf32>
      %eq3A_1017 = arith.cmpf oeq, %get3A_988, %max3A_1016 : vector<16xf32>
      %jit3A_1018 = arith.constant 16 : i32
      %broadcast_in_dim3A_1019 = vector.broadcast %jit3A_1018 : i32 to vector<16xi32>
      %select_n3A_1020 = arith.select %eq3A_1017, %iota3A, %broadcast_in_dim3A_1019 : vector<16xi1>, vector<16xi32>
      %xor3A_1021 = arith.constant 8 : i32
      %xor3A_1022 = vector.broadcast %xor3A_1021 : i32 to vector<16xi32>
      %xor3A_1023 = arith.xori %iota3A, %xor3A_1022 : vector<16xi32>
      %broadcast_in_dim3A_1024 = vector.shape_cast %xor3A_1023 : vector<16xi32> to vector<16x1xi32>
      %gather3A_1025 = vector.shape_cast %broadcast_in_dim3A_1024 : vector<16x1xi32> to vector<16xi32>
      %gather3A_1026 = tpu.dynamic_gather %select_n3A_1020[%gather3A_1025] in [0] : vector<16xi32>, vector<16xi32> -> vector<16xi32>
      %min3A_1027 = arith.minsi %select_n3A_1020, %gather3A_1026 : vector<16xi32>
      %xor3A_1028 = arith.constant 4 : i32
      %xor3A_1029 = vector.broadcast %xor3A_1028 : i32 to vector<16xi32>
      %xor3A_1030 = arith.xori %iota3A, %xor3A_1029 : vector<16xi32>
      %broadcast_in_dim3A_1031 = vector.shape_cast %xor3A_1030 : vector<16xi32> to vector<16x1xi32>
      %gather3A_1032 = vector.shape_cast %broadcast_in_dim3A_1031 : vector<16x1xi32> to vector<16xi32>
      %gather3A_1033 = tpu.dynamic_gather %min3A_1027[%gather3A_1032] in [0] : vector<16xi32>, vector<16xi32> -> vector<16xi32>
      %min3A_1034 = arith.minsi %min3A_1027, %gather3A_1033 : vector<16xi32>
      %xor3A_1035 = arith.constant 2 : i32
      %xor3A_1036 = vector.broadcast %xor3A_1035 : i32 to vector<16xi32>
      %xor3A_1037 = arith.xori %iota3A, %xor3A_1036 : vector<16xi32>
      %broadcast_in_dim3A_1038 = vector.shape_cast %xor3A_1037 : vector<16xi32> to vector<16x1xi32>
      %gather3A_1039 = vector.shape_cast %broadcast_in_dim3A_1038 : vector<16x1xi32> to vector<16xi32>
      %gather3A_1040 = tpu.dynamic_gather %min3A_1034[%gather3A_1039] in [0] : vector<16xi32>, vector<16xi32> -> vector<16xi32>
      %min3A_1041 = arith.minsi %min3A_1034, %gather3A_1040 : vector<16xi32>
      %xor3A_1042 = arith.constant 1 : i32
      %xor3A_1043 = vector.broadcast %xor3A_1042 : i32 to vector<16xi32>
      %xor3A_1044 = arith.xori %iota3A, %xor3A_1043 : vector<16xi32>
      %broadcast_in_dim3A_1045 = vector.shape_cast %xor3A_1044 : vector<16xi32> to vector<16x1xi32>
      %gather3A_1046 = vector.shape_cast %broadcast_in_dim3A_1045 : vector<16x1xi32> to vector<16xi32>
      %gather3A_1047 = tpu.dynamic_gather %min3A_1041[%gather3A_1046] in [0] : vector<16xi32>, vector<16xi32> -> vector<16xi32>
      %min3A_1048 = arith.minsi %min3A_1041, %gather3A_1047 : vector<16xi32>
      %eq3A_1049 = arith.cmpi eq, %iota3A, %min3A_1048 : vector<16xi32>
      %broadcast_in_dim3A_1050 = vector.broadcast %scan3A : f32 to vector<16xf32>
      %select_n3A_1051 = arith.select %eq3A_1049, %broadcast_in_dim3A_1050, %get3A_988 : vector<16xi1>, vector<16xf32>
      %xor3A_1052 = arith.constant 8 : i32
      %xor3A_1053 = vector.broadcast %xor3A_1052 : i32 to vector<16xi32>
      %xor3A_1054 = arith.xori %iota3A, %xor3A_1053 : vector<16xi32>
      %broadcast_in_dim3A_1055 = vector.shape_cast %xor3A_1054 : vector<16xi32> to vector<16x1xi32>
      %gather3A_1056 = vector.shape_cast %broadcast_in_dim3A_1055 : vector<16x1xi32> to vector<16xi32>
      %gather3A_1057 = tpu.dynamic_gather %select_n3A_1051[%gather3A_1056] in [0] : vector<16xf32>, vector<16xi32> -> vector<16xf32>
      %max3A_1058 = arith.maximumf %select_n3A_1051, %gather3A_1057 : vector<16xf32>
      %xor3A_1059 = arith.constant 4 : i32
      %xor3A_1060 = vector.broadcast %xor3A_1059 : i32 to vector<16xi32>
      %xor3A_1061 = arith.xori %iota3A, %xor3A_1060 : vector<16xi32>
      %broadcast_in_dim3A_1062 = vector.shape_cast %xor3A_1061 : vector<16xi32> to vector<16x1xi32>
      %gather3A_1063 = vector.shape_cast %broadcast_in_dim3A_1062 : vector<16x1xi32> to vector<16xi32>
      %gather3A_1064 = tpu.dynamic_gather %max3A_1058[%gather3A_1063] in [0] : vector<16xf32>, vector<16xi32> -> vector<16xf32>
      %max3A_1065 = arith.maximumf %max3A_1058, %gather3A_1064 : vector<16xf32>
      %xor3A_1066 = arith.constant 2 : i32
      %xor3A_1067 = vector.broadcast %xor3A_1066 : i32 to vector<16xi32>
      %xor3A_1068 = arith.xori %iota3A, %xor3A_1067 : vector<16xi32>
      %broadcast_in_dim3A_1069 = vector.shape_cast %xor3A_1068 : vector<16xi32> to vector<16x1xi32>
      %gather3A_1070 = vector.shape_cast %broadcast_in_dim3A_1069 : vector<16x1xi32> to vector<16xi32>
      %gather3A_1071 = tpu.dynamic_gather %max3A_1065[%gather3A_1070] in [0] : vector<16xf32>, vector<16xi32> -> vector<16xf32>
      %max3A_1072 = arith.maximumf %max3A_1065, %gather3A_1071 : vector<16xf32>
      %xor3A_1073 = arith.constant 1 : i32
      %xor3A_1074 = vector.broadcast %xor3A_1073 : i32 to vector<16xi32>
      %xor3A_1075 = arith.xori %iota3A, %xor3A_1074 : vector<16xi32>
      %broadcast_in_dim3A_1076 = vector.shape_cast %xor3A_1075 : vector<16xi32> to vector<16x1xi32>
      %gather3A_1077 = vector.shape_cast %broadcast_in_dim3A_1076 : vector<16x1xi32> to vector<16xi32>
      %gather3A_1078 = tpu.dynamic_gather %max3A_1072[%gather3A_1077] in [0] : vector<16xf32>, vector<16xi32> -> vector<16xf32>
      %max3A_1079 = arith.maximumf %max3A_1072, %gather3A_1078 : vector<16xf32>
      %eq3A_1080 = arith.cmpf oeq, %select_n3A_1051, %max3A_1079 : vector<16xf32>
      %jit3A_1081 = arith.constant 16 : i32
      %broadcast_in_dim3A_1082 = vector.broadcast %jit3A_1081 : i32 to vector<16xi32>
      %select_n3A_1083 = arith.select %eq3A_1080, %iota3A, %broadcast_in_dim3A_1082 : vector<16xi1>, vector<16xi32>
      %xor3A_1084 = arith.constant 8 : i32
      %xor3A_1085 = vector.broadcast %xor3A_1084 : i32 to vector<16xi32>
      %xor3A_1086 = arith.xori %iota3A, %xor3A_1085 : vector<16xi32>
      %broadcast_in_dim3A_1087 = vector.shape_cast %xor3A_1086 : vector<16xi32> to vector<16x1xi32>
      %gather3A_1088 = vector.shape_cast %broadcast_in_dim3A_1087 : vector<16x1xi32> to vector<16xi32>
      %gather3A_1089 = tpu.dynamic_gather %select_n3A_1083[%gather3A_1088] in [0] : vector<16xi32>, vector<16xi32> -> vector<16xi32>
      %min3A_1090 = arith.minsi %select_n3A_1083, %gather3A_1089 : vector<16xi32>
      %xor3A_1091 = arith.constant 4 : i32
      %xor3A_1092 = vector.broadcast %xor3A_1091 : i32 to vector<16xi32>
      %xor3A_1093 = arith.xori %iota3A, %xor3A_1092 : vector<16xi32>
      %broadcast_in_dim3A_1094 = vector.shape_cast %xor3A_1093 : vector<16xi32> to vector<16x1xi32>
      %gather3A_1095 = vector.shape_cast %broadcast_in_dim3A_1094 : vector<16x1xi32> to vector<16xi32>
      %gather3A_1096 = tpu.dynamic_gather %min3A_1090[%gather3A_1095] in [0] : vector<16xi32>, vector<16xi32> -> vector<16xi32>
      %min3A_1097 = arith.minsi %min3A_1090, %gather3A_1096 : vector<16xi32>
      %xor3A_1098 = arith.constant 2 : i32
      %xor3A_1099 = vector.broadcast %xor3A_1098 : i32 to vector<16xi32>
      %xor3A_1100 = arith.xori %iota3A, %xor3A_1099 : vector<16xi32>
      %broadcast_in_dim3A_1101 = vector.shape_cast %xor3A_1100 : vector<16xi32> to vector<16x1xi32>
      %gather3A_1102 = vector.shape_cast %broadcast_in_dim3A_1101 : vector<16x1xi32> to vector<16xi32>
      %gather3A_1103 = tpu.dynamic_gather %min3A_1097[%gather3A_1102] in [0] : vector<16xi32>, vector<16xi32> -> vector<16xi32>
      %min3A_1104 = arith.minsi %min3A_1097, %gather3A_1103 : vector<16xi32>
      %xor3A_1105 = arith.constant 1 : i32
      %xor3A_1106 = vector.broadcast %xor3A_1105 : i32 to vector<16xi32>
      %xor3A_1107 = arith.xori %iota3A, %xor3A_1106 : vector<16xi32>
      %broadcast_in_dim3A_1108 = vector.shape_cast %xor3A_1107 : vector<16xi32> to vector<16x1xi32>
      %gather3A_1109 = vector.shape_cast %broadcast_in_dim3A_1108 : vector<16x1xi32> to vector<16xi32>
      %gather3A_1110 = tpu.dynamic_gather %min3A_1104[%gather3A_1109] in [0] : vector<16xi32>, vector<16xi32> -> vector<16xi32>
      %min3A_1111 = arith.minsi %min3A_1104, %gather3A_1110 : vector<16xi32>
      %sub3A_1112 = arith.subf %max3A_1079, %max3A_1016 : vector<16xf32>
      %exp3A_1113 = math.exp %sub3A_1112 : vector<16xf32>
      %add3A_1114 = arith.constant 1.000000e+00 : f32
      %add3A_1115 = vector.broadcast %add3A_1114 : f32 to vector<16xf32>
      %add3A_1116 = arith.addf %add3A_1115, %exp3A_1113 : vector<16xf32>
      %div3A_1117 = arith.constant 1.000000e+00 : f32
      %div3A_1118 = vector.broadcast %div3A_1117 : f32 to vector<16xf32>
      %div3A_1119 = arith.divf %div3A_1118, %add3A_1116 : vector<16xf32>
      %eq3A_1120 = arith.constant 0 : i32
      %eq3A_1121 = vector.broadcast %eq3A_1120 : i32 to vector<16xi32>
      %eq3A_1122 = arith.cmpi eq, %select_n3A_17, %eq3A_1121 : vector<16xi32>
      %convert_element_type3A_1123 = arith.sitofp %min3A_1048 : vector<16xi32> to vector<16xf32>
      %eq3A_1124 = arith.constant 1 : i32
      %eq3A_1125 = vector.broadcast %eq3A_1124 : i32 to vector<16xi32>
      %eq3A_1126 = arith.cmpi eq, %select_n3A_17, %eq3A_1125 : vector<16xi32>
      %eq3A_1127 = arith.constant 2 : i32
      %eq3A_1128 = vector.broadcast %eq3A_1127 : i32 to vector<16xi32>
      %eq3A_1129 = arith.cmpi eq, %select_n3A_17, %eq3A_1128 : vector<16xi32>
      %convert_element_type3A_1130 = arith.sitofp %min3A_1111 : vector<16xi32> to vector<16xf32>
      %mul3A_1131 = arith.mulf %exp3A_1113, %div3A_1119 : vector<16xf32>
      %select_n3A_1132 = arith.select %eq3A_1129, %convert_element_type3A_1130, %mul3A_1131 : vector<16xi1>, vector<16xf32>
      %select_n3A_1133 = arith.select %eq3A_1126, %div3A_1119, %select_n3A_1132 : vector<16xi1>, vector<16xf32>
      %select_n3A_1134 = arith.select %eq3A_1122, %convert_element_type3A_1123, %select_n3A_1133 : vector<16xi1>, vector<16xf32>
      %swap3A_1135 = arith.index_cast %scan3A_984 : i32 to index
      %swap3A_1136 = arith.constant 0 : index
      %swap3A_1137 = tpu.vector_load %arg5[%swap3A_1135, %swap3A_1136] {strides = array<i32>} : memref<256x16xf32, #tpu.memory_space<vmem>>, vector<1x16xf32>,
      %swap3A_1138 = vector.shape_cast %swap3A_1137 : vector<1x16xf32> to vector<16xf32>
      %swap3A_1139 = vector.shape_cast %select_n3A_1134 : vector<16xf32> to vector<1x16xf32>
      tpu.vector_store %arg5[%swap3A_1135, %swap3A_1136], %swap3A_1139 {strides = array<i32>} : memref<256x16xf32, #tpu.memory_space<vmem>>, vector<1x16xf32>,
      %scan3A_1140 = arith.constant 7 : i32
      %scan3A_1141 = arith.addi %scan3A_51, %scan3A_1140 : i32
      %get3A_1142 = arith.index_cast %scan3A_1141 : i32 to index
      %get3A_1143 = arith.constant 0 : index
      %get3A_1144 = tpu.vector_load %arg4[%get3A_1142, %get3A_1143] {strides = array<i32>} : memref<256x16xf32, #tpu.memory_space<vmem>>, vector<1x16xf32>,
      %get3A_1145 = vector.shape_cast %get3A_1144 : vector<1x16xf32> to vector<16xf32>
      %xor3A_1146 = arith.constant 8 : i32
      %xor3A_1147 = vector.broadcast %xor3A_1146 : i32 to vector<16xi32>
      %xor3A_1148 = arith.xori %iota3A, %xor3A_1147 : vector<16xi32>
      %broadcast_in_dim3A_1149 = vector.shape_cast %xor3A_1148 : vector<16xi32> to vector<16x1xi32>
      %gather3A_1150 = vector.shape_cast %broadcast_in_dim3A_1149 : vector<16x1xi32> to vector<16xi32>
      %gather3A_1151 = tpu.dynamic_gather %get3A_1145[%gather3A_1150] in [0] : vector<16xf32>, vector<16xi32> -> vector<16xf32>
      %max3A_1152 = arith.maximumf %get3A_1145, %gather3A_1151 : vector<16xf32>
      %xor3A_1153 = arith.constant 4 : i32
      %xor3A_1154 = vector.broadcast %xor3A_1153 : i32 to vector<16xi32>
      %xor3A_1155 = arith.xori %iota3A, %xor3A_1154 : vector<16xi32>
      %broadcast_in_dim3A_1156 = vector.shape_cast %xor3A_1155 : vector<16xi32> to vector<16x1xi32>
      %gather3A_1157 = vector.shape_cast %broadcast_in_dim3A_1156 : vector<16x1xi32> to vector<16xi32>
      %gather3A_1158 = tpu.dynamic_gather %max3A_1152[%gather3A_1157] in [0] : vector<16xf32>, vector<16xi32> -> vector<16xf32>
      %max3A_1159 = arith.maximumf %max3A_1152, %gather3A_1158 : vector<16xf32>
      %xor3A_1160 = arith.constant 2 : i32
      %xor3A_1161 = vector.broadcast %xor3A_1160 : i32 to vector<16xi32>
      %xor3A_1162 = arith.xori %iota3A, %xor3A_1161 : vector<16xi32>
      %broadcast_in_dim3A_1163 = vector.shape_cast %xor3A_1162 : vector<16xi32> to vector<16x1xi32>
      %gather3A_1164 = vector.shape_cast %broadcast_in_dim3A_1163 : vector<16x1xi32> to vector<16xi32>
      %gather3A_1165 = tpu.dynamic_gather %max3A_1159[%gather3A_1164] in [0] : vector<16xf32>, vector<16xi32> -> vector<16xf32>
      %max3A_1166 = arith.maximumf %max3A_1159, %gather3A_1165 : vector<16xf32>
      %xor3A_1167 = arith.constant 1 : i32
      %xor3A_1168 = vector.broadcast %xor3A_1167 : i32 to vector<16xi32>
      %xor3A_1169 = arith.xori %iota3A, %xor3A_1168 : vector<16xi32>
      %broadcast_in_dim3A_1170 = vector.shape_cast %xor3A_1169 : vector<16xi32> to vector<16x1xi32>
      %gather3A_1171 = vector.shape_cast %broadcast_in_dim3A_1170 : vector<16x1xi32> to vector<16xi32>
      %gather3A_1172 = tpu.dynamic_gather %max3A_1166[%gather3A_1171] in [0] : vector<16xf32>, vector<16xi32> -> vector<16xf32>
      %max3A_1173 = arith.maximumf %max3A_1166, %gather3A_1172 : vector<16xf32>
      %eq3A_1174 = arith.cmpf oeq, %get3A_1145, %max3A_1173 : vector<16xf32>
      %jit3A_1175 = arith.constant 16 : i32
      %broadcast_in_dim3A_1176 = vector.broadcast %jit3A_1175 : i32 to vector<16xi32>
      %select_n3A_1177 = arith.select %eq3A_1174, %iota3A, %broadcast_in_dim3A_1176 : vector<16xi1>, vector<16xi32>
      %xor3A_1178 = arith.constant 8 : i32
      %xor3A_1179 = vector.broadcast %xor3A_1178 : i32 to vector<16xi32>
      %xor3A_1180 = arith.xori %iota3A, %xor3A_1179 : vector<16xi32>
      %broadcast_in_dim3A_1181 = vector.shape_cast %xor3A_1180 : vector<16xi32> to vector<16x1xi32>
      %gather3A_1182 = vector.shape_cast %broadcast_in_dim3A_1181 : vector<16x1xi32> to vector<16xi32>
      %gather3A_1183 = tpu.dynamic_gather %select_n3A_1177[%gather3A_1182] in [0] : vector<16xi32>, vector<16xi32> -> vector<16xi32>
      %min3A_1184 = arith.minsi %select_n3A_1177, %gather3A_1183 : vector<16xi32>
      %xor3A_1185 = arith.constant 4 : i32
      %xor3A_1186 = vector.broadcast %xor3A_1185 : i32 to vector<16xi32>
      %xor3A_1187 = arith.xori %iota3A, %xor3A_1186 : vector<16xi32>
      %broadcast_in_dim3A_1188 = vector.shape_cast %xor3A_1187 : vector<16xi32> to vector<16x1xi32>
      %gather3A_1189 = vector.shape_cast %broadcast_in_dim3A_1188 : vector<16x1xi32> to vector<16xi32>
      %gather3A_1190 = tpu.dynamic_gather %min3A_1184[%gather3A_1189] in [0] : vector<16xi32>, vector<16xi32> -> vector<16xi32>
      %min3A_1191 = arith.minsi %min3A_1184, %gather3A_1190 : vector<16xi32>
      %xor3A_1192 = arith.constant 2 : i32
      %xor3A_1193 = vector.broadcast %xor3A_1192 : i32 to vector<16xi32>
      %xor3A_1194 = arith.xori %iota3A, %xor3A_1193 : vector<16xi32>
      %broadcast_in_dim3A_1195 = vector.shape_cast %xor3A_1194 : vector<16xi32> to vector<16x1xi32>
      %gather3A_1196 = vector.shape_cast %broadcast_in_dim3A_1195 : vector<16x1xi32> to vector<16xi32>
      %gather3A_1197 = tpu.dynamic_gather %min3A_1191[%gather3A_1196] in [0] : vector<16xi32>, vector<16xi32> -> vector<16xi32>
      %min3A_1198 = arith.minsi %min3A_1191, %gather3A_1197 : vector<16xi32>
      %xor3A_1199 = arith.constant 1 : i32
      %xor3A_1200 = vector.broadcast %xor3A_1199 : i32 to vector<16xi32>
      %xor3A_1201 = arith.xori %iota3A, %xor3A_1200 : vector<16xi32>
      %broadcast_in_dim3A_1202 = vector.shape_cast %xor3A_1201 : vector<16xi32> to vector<16x1xi32>
      %gather3A_1203 = vector.shape_cast %broadcast_in_dim3A_1202 : vector<16x1xi32> to vector<16xi32>
      %gather3A_1204 = tpu.dynamic_gather %min3A_1198[%gather3A_1203] in [0] : vector<16xi32>, vector<16xi32> -> vector<16xi32>
      %min3A_1205 = arith.minsi %min3A_1198, %gather3A_1204 : vector<16xi32>
      %eq3A_1206 = arith.cmpi eq, %iota3A, %min3A_1205 : vector<16xi32>
      %broadcast_in_dim3A_1207 = vector.broadcast %scan3A : f32 to vector<16xf32>
      %select_n3A_1208 = arith.select %eq3A_1206, %broadcast_in_dim3A_1207, %get3A_1145 : vector<16xi1>, vector<16xf32>
      %xor3A_1209 = arith.constant 8 : i32
      %xor3A_1210 = vector.broadcast %xor3A_1209 : i32 to vector<16xi32>
      %xor3A_1211 = arith.xori %iota3A, %xor3A_1210 : vector<16xi32>
      %broadcast_in_dim3A_1212 = vector.shape_cast %xor3A_1211 : vector<16xi32> to vector<16x1xi32>
      %gather3A_1213 = vector.shape_cast %broadcast_in_dim3A_1212 : vector<16x1xi32> to vector<16xi32>
      %gather3A_1214 = tpu.dynamic_gather %select_n3A_1208[%gather3A_1213] in [0] : vector<16xf32>, vector<16xi32> -> vector<16xf32>
      %max3A_1215 = arith.maximumf %select_n3A_1208, %gather3A_1214 : vector<16xf32>
      %xor3A_1216 = arith.constant 4 : i32
      %xor3A_1217 = vector.broadcast %xor3A_1216 : i32 to vector<16xi32>
      %xor3A_1218 = arith.xori %iota3A, %xor3A_1217 : vector<16xi32>
      %broadcast_in_dim3A_1219 = vector.shape_cast %xor3A_1218 : vector<16xi32> to vector<16x1xi32>
      %gather3A_1220 = vector.shape_cast %broadcast_in_dim3A_1219 : vector<16x1xi32> to vector<16xi32>
      %gather3A_1221 = tpu.dynamic_gather %max3A_1215[%gather3A_1220] in [0] : vector<16xf32>, vector<16xi32> -> vector<16xf32>
      %max3A_1222 = arith.maximumf %max3A_1215, %gather3A_1221 : vector<16xf32>
      %xor3A_1223 = arith.constant 2 : i32
      %xor3A_1224 = vector.broadcast %xor3A_1223 : i32 to vector<16xi32>
      %xor3A_1225 = arith.xori %iota3A, %xor3A_1224 : vector<16xi32>
      %broadcast_in_dim3A_1226 = vector.shape_cast %xor3A_1225 : vector<16xi32> to vector<16x1xi32>
      %gather3A_1227 = vector.shape_cast %broadcast_in_dim3A_1226 : vector<16x1xi32> to vector<16xi32>
      %gather3A_1228 = tpu.dynamic_gather %max3A_1222[%gather3A_1227] in [0] : vector<16xf32>, vector<16xi32> -> vector<16xf32>
      %max3A_1229 = arith.maximumf %max3A_1222, %gather3A_1228 : vector<16xf32>
      %xor3A_1230 = arith.constant 1 : i32
      %xor3A_1231 = vector.broadcast %xor3A_1230 : i32 to vector<16xi32>
      %xor3A_1232 = arith.xori %iota3A, %xor3A_1231 : vector<16xi32>
      %broadcast_in_dim3A_1233 = vector.shape_cast %xor3A_1232 : vector<16xi32> to vector<16x1xi32>
      %gather3A_1234 = vector.shape_cast %broadcast_in_dim3A_1233 : vector<16x1xi32> to vector<16xi32>
      %gather3A_1235 = tpu.dynamic_gather %max3A_1229[%gather3A_1234] in [0] : vector<16xf32>, vector<16xi32> -> vector<16xf32>
      %max3A_1236 = arith.maximumf %max3A_1229, %gather3A_1235 : vector<16xf32>
      %eq3A_1237 = arith.cmpf oeq, %select_n3A_1208, %max3A_1236 : vector<16xf32>
      %jit3A_1238 = arith.constant 16 : i32
      %broadcast_in_dim3A_1239 = vector.broadcast %jit3A_1238 : i32 to vector<16xi32>
      %select_n3A_1240 = arith.select %eq3A_1237, %iota3A, %broadcast_in_dim3A_1239 : vector<16xi1>, vector<16xi32>
      %xor3A_1241 = arith.constant 8 : i32
      %xor3A_1242 = vector.broadcast %xor3A_1241 : i32 to vector<16xi32>
      %xor3A_1243 = arith.xori %iota3A, %xor3A_1242 : vector<16xi32>
      %broadcast_in_dim3A_1244 = vector.shape_cast %xor3A_1243 : vector<16xi32> to vector<16x1xi32>
      %gather3A_1245 = vector.shape_cast %broadcast_in_dim3A_1244 : vector<16x1xi32> to vector<16xi32>
      %gather3A_1246 = tpu.dynamic_gather %select_n3A_1240[%gather3A_1245] in [0] : vector<16xi32>, vector<16xi32> -> vector<16xi32>
      %min3A_1247 = arith.minsi %select_n3A_1240, %gather3A_1246 : vector<16xi32>
      %xor3A_1248 = arith.constant 4 : i32
      %xor3A_1249 = vector.broadcast %xor3A_1248 : i32 to vector<16xi32>
      %xor3A_1250 = arith.xori %iota3A, %xor3A_1249 : vector<16xi32>
      %broadcast_in_dim3A_1251 = vector.shape_cast %xor3A_1250 : vector<16xi32> to vector<16x1xi32>
      %gather3A_1252 = vector.shape_cast %broadcast_in_dim3A_1251 : vector<16x1xi32> to vector<16xi32>
      %gather3A_1253 = tpu.dynamic_gather %min3A_1247[%gather3A_1252] in [0] : vector<16xi32>, vector<16xi32> -> vector<16xi32>
      %min3A_1254 = arith.minsi %min3A_1247, %gather3A_1253 : vector<16xi32>
      %xor3A_1255 = arith.constant 2 : i32
      %xor3A_1256 = vector.broadcast %xor3A_1255 : i32 to vector<16xi32>
      %xor3A_1257 = arith.xori %iota3A, %xor3A_1256 : vector<16xi32>
      %broadcast_in_dim3A_1258 = vector.shape_cast %xor3A_1257 : vector<16xi32> to vector<16x1xi32>
      %gather3A_1259 = vector.shape_cast %broadcast_in_dim3A_1258 : vector<16x1xi32> to vector<16xi32>
      %gather3A_1260 = tpu.dynamic_gather %min3A_1254[%gather3A_1259] in [0] : vector<16xi32>, vector<16xi32> -> vector<16xi32>
      %min3A_1261 = arith.minsi %min3A_1254, %gather3A_1260 : vector<16xi32>
      %xor3A_1262 = arith.constant 1 : i32
      %xor3A_1263 = vector.broadcast %xor3A_1262 : i32 to vector<16xi32>
      %xor3A_1264 = arith.xori %iota3A, %xor3A_1263 : vector<16xi32>
      %broadcast_in_dim3A_1265 = vector.shape_cast %xor3A_1264 : vector<16xi32> to vector<16x1xi32>
      %gather3A_1266 = vector.shape_cast %broadcast_in_dim3A_1265 : vector<16x1xi32> to vector<16xi32>
      %gather3A_1267 = tpu.dynamic_gather %min3A_1261[%gather3A_1266] in [0] : vector<16xi32>, vector<16xi32> -> vector<16xi32>
      %min3A_1268 = arith.minsi %min3A_1261, %gather3A_1267 : vector<16xi32>
      %sub3A_1269 = arith.subf %max3A_1236, %max3A_1173 : vector<16xf32>
      %exp3A_1270 = math.exp %sub3A_1269 : vector<16xf32>
      %add3A_1271 = arith.constant 1.000000e+00 : f32
      %add3A_1272 = vector.broadcast %add3A_1271 : f32 to vector<16xf32>
      %add3A_1273 = arith.addf %add3A_1272, %exp3A_1270 : vector<16xf32>
      %div3A_1274 = arith.constant 1.000000e+00 : f32
      %div3A_1275 = vector.broadcast %div3A_1274 : f32 to vector<16xf32>
      %div3A_1276 = arith.divf %div3A_1275, %add3A_1273 : vector<16xf32>
      %eq3A_1277 = arith.constant 0 : i32
      %eq3A_1278 = vector.broadcast %eq3A_1277 : i32 to vector<16xi32>
      %eq3A_1279 = arith.cmpi eq, %select_n3A_17, %eq3A_1278 : vector<16xi32>
      %convert_element_type3A_1280 = arith.sitofp %min3A_1205 : vector<16xi32> to vector<16xf32>
      %eq3A_1281 = arith.constant 1 : i32
      %eq3A_1282 = vector.broadcast %eq3A_1281 : i32 to vector<16xi32>
      %eq3A_1283 = arith.cmpi eq, %select_n3A_17, %eq3A_1282 : vector<16xi32>
      %eq3A_1284 = arith.constant 2 : i32
      %eq3A_1285 = vector.broadcast %eq3A_1284 : i32 to vector<16xi32>
      %eq3A_1286 = arith.cmpi eq, %select_n3A_17, %eq3A_1285 : vector<16xi32>
      %convert_element_type3A_1287 = arith.sitofp %min3A_1268 : vector<16xi32> to vector<16xf32>
      %mul3A_1288 = arith.mulf %exp3A_1270, %div3A_1276 : vector<16xf32>
      %select_n3A_1289 = arith.select %eq3A_1286, %convert_element_type3A_1287, %mul3A_1288 : vector<16xi1>, vector<16xf32>
      %select_n3A_1290 = arith.select %eq3A_1283, %div3A_1276, %select_n3A_1289 : vector<16xi1>, vector<16xf32>
      %select_n3A_1291 = arith.select %eq3A_1279, %convert_element_type3A_1280, %select_n3A_1290 : vector<16xi1>, vector<16xf32>
      %swap3A_1292 = arith.index_cast %scan3A_1141 : i32 to index
      %swap3A_1293 = arith.constant 0 : index
      %swap3A_1294 = tpu.vector_load %arg5[%swap3A_1292, %swap3A_1293] {strides = array<i32>} : memref<256x16xf32, #tpu.memory_space<vmem>>, vector<1x16xf32>,
      %swap3A_1295 = vector.shape_cast %swap3A_1294 : vector<1x16xf32> to vector<16xf32>
      %swap3A_1296 = vector.shape_cast %select_n3A_1291 : vector<16xf32> to vector<1x16xf32>
      tpu.vector_store %arg5[%swap3A_1292, %swap3A_1293], %swap3A_1296 {strides = array<i32>} : memref<256x16xf32, #tpu.memory_space<vmem>>, vector<1x16xf32>,
    }
    %scan3A_50 = arith.constant 256 : i32
    "tpu.region"() ({
      %run_scoped3A = tpu.sem_alloc : memref<!tpu.dma_semaphore, #tpu.memory_space<semaphore_mem>>
      %dma_start3A = arith.constant 0 : i32
      %dma_start3A_51 = tpu.memref_slice %arg3[%mul3A_2, %dma_start3A] : memref<8192x16xf32, #tpu.memory_space<hbm>> -> memref<256x16xf32, #tpu.memory_space<hbm>>
      %dma_start3A_52 = arith.constant 0 : i32
      %dma_start3A_53 = tpu.memref_slice %arg3[%mul3A_2, %dma_start3A_52] : memref<8192x16xf32, #tpu.memory_space<hbm>> -> memref<256x16xf32, #tpu.memory_space<hbm>>
      tpu.enqueue_dma source(%arg5 : memref<256x16xf32, #tpu.memory_space<vmem>>) target(%dma_start3A_53 : memref<256x16xf32, #tpu.memory_space<hbm>>) target_semaphore(%run_scoped3A : memref<!tpu.dma_semaphore, #tpu.memory_space<semaphore_mem>>)
      %dma_wait3A = arith.constant 0 : i32
      %dma_wait3A_54 = tpu.memref_slice %arg3[%mul3A_2, %dma_wait3A] : memref<8192x16xf32, #tpu.memory_space<hbm>> -> memref<256x16xf32, #tpu.memory_space<hbm>>
      %dma_wait3A_55 = arith.constant 0 : i32
      %dma_wait3A_56 = tpu.memref_slice %arg3[%mul3A_2, %dma_wait3A_55] : memref<8192x16xf32, #tpu.memory_space<hbm>> -> memref<256x16xf32, #tpu.memory_space<hbm>>
      tpu.wait_dma2 semaphore(%run_scoped3A : memref<!tpu.dma_semaphore, #tpu.memory_space<semaphore_mem>>) src(%arg5 : memref<256x16xf32, #tpu.memory_space<vmem>>) dst(%dma_wait3A_56 : memref<256x16xf32, #tpu.memory_space<hbm>>)
      tpu.yield
    }) : () -> ()
    return
  }
}

module attributes {stable_mosaic.version = 14 : i64} {
  func.func @_ground_body(%arg0: i32, %arg1: memref<1x1xf32, #tpu.memory_space<smem>>, %arg2: memref<1024x2048xf32, #tpu.memory_space<vmem>>, %arg3: memref<1024x16xf32, #tpu.memory_space<vmem>>, %arg4: memref<16x2048xf32, #tpu.memory_space<vmem>>, %arg5: memref<1024x16xf32, #tpu.memory_space<vmem>>) attributes {dimension_semantics = [#tpu.dimension_semantics<parallel>], iteration_bounds = array<i64: 8>, scalar_prefetch = 0 : i64, scratch_operands = 0 : i64, tpu.core_type = #tpu.core_type<tc>, window_params = [{transform_indices = @transform_0, window_bounds = array<i64: 1, 1>}, {transform_indices = @transform_1, window_bounds = array<i64: 1024, 2048>}, {transform_indices = @transform_2, window_bounds = array<i64: 1024, 16>}, {pipeline_mode = #tpu.pipeline_mode<synchronous>, transform_indices = @transform_3, window_bounds = array<i64: 16, 2048>}, {transform_indices = @transform_4, window_bounds = array<i64: 1024, 16>}]} {
    %get3A = arith.constant 0 : index
    %get3A_0 = arith.constant 0 : index
    %get3A_1 = vector.load %arg2[%get3A, %get3A_0] : memref<1024x2048xf32, #tpu.memory_space<vmem>>, vector<1024x2048xf32>
    %get3A_2 = arith.constant 0 : index
    %get3A_3 = arith.constant 0 : index
    %get3A_4 = vector.load %arg4[%get3A_2, %get3A_3] : memref<16x2048xf32, #tpu.memory_space<vmem>>, vector<16x2048xf32>
    %dot_general3A = arith.constant dense<0.000000e+00> : vector<1024x16xf32>
    %dot_general3A_5 = tpu.matmul %get3A_1, %get3A_4, %dot_general3A {dimension_numbers = #tpu.dot_dimension_numbers<[1], [1], [0], [0], [0, 0, 1, 0], [], []>, transpose_lhs_hint = false} : vector<1024x2048xf32>, vector<16x2048xf32>, vector<1024x16xf32> -> vector<1024x16xf32>
    %get3A_6 = arith.constant 0 : index
    %get3A_7 = arith.constant 0 : index
    %get3A_8 = vector.load %arg3[%get3A_6, %get3A_7] : memref<1024x16xf32, #tpu.memory_space<vmem>>, vector<1024x16xf32>
    %get3A_9 = arith.constant 0 : index
    %get3A_10 = arith.constant 0 : index
    %get3A_11 = memref.load %arg1[%get3A_9, %get3A_10] : memref<1x1xf32, #tpu.memory_space<smem>>
    %mul3A = vector.broadcast %get3A_11 : f32 to vector<1024x16xf32>
    %mul3A_12 = arith.mulf %mul3A, %dot_general3A_5 : vector<1024x16xf32>
    %add3A = arith.addf %get3A_8, %mul3A_12 : vector<1024x16xf32>
    %swap3A = arith.constant 0 : index
    %swap3A_13 = arith.constant 0 : index
    %swap3A_14 = vector.load %arg5[%swap3A, %swap3A_13] : memref<1024x16xf32, #tpu.memory_space<vmem>>, vector<1024x16xf32>
    tpu.vector_store %arg5[%swap3A, %swap3A_13], %add3A {strides = array<i32>} : memref<1024x16xf32, #tpu.memory_space<vmem>>, vector<1024x16xf32>,
    return
  }
  func.func @transform_0(%arg0: i32) -> (i32, i32) {
    %c0_i32 = arith.constant 0 : i32
    %c0_i32_0 = arith.constant 0 : i32
    %c0_i32_1 = arith.constant 0 : i32
    return %c0_i32, %c0_i32_0 : i32, i32
  }
  func.func @transform_1(%arg0: i32) -> (i32, i32) {
    %c0_i32 = arith.constant 0 : i32
    %c0_i32_0 = arith.constant 0 : i32
    return %arg0, %c0_i32 : i32, i32
  }
  func.func @transform_2(%arg0: i32) -> (i32, i32) {
    %c0_i32 = arith.constant 0 : i32
    %c0_i32_0 = arith.constant 0 : i32
    return %arg0, %c0_i32 : i32, i32
  }
  func.func @transform_3(%arg0: i32) -> (i32, i32) {
    %c0_i32 = arith.constant 0 : i32
    %c0_i32_0 = arith.constant 0 : i32
    %c0_i32_1 = arith.constant 0 : i32
    return %c0_i32, %c0_i32_0 : i32, i32
  }
  func.func @transform_4(%arg0: i32) -> (i32, i32) {
    %c0_i32 = arith.constant 0 : i32
    %c0_i32_0 = arith.constant 0 : i32
    return %arg0, %c0_i32 : i32, i32
  }
}

</mosaic_0001>

<sc_bundles>
// kernel: _run.4.cloned.1.call-start
scs
__scs_entry_jumppad:
0x0: {  	(pc) =	sbr.rel $0x88, $3  }
0x1: {  	(tag) =	ssettag $0x0;
	lr =	simm.s32 $0x1  }
0x2: {  	[smem:$0x3F9D] =	sst lr;
	_ =	strace $0xD0000000  }
0x3: {  	_ = 	snop  }
0x4: {  	_ = 	snop  }
0x5: {  	_ = 	snop  }
0x6: {  	_ = 	snop  }
0x7: {  	_ = 	snop  }
__scs_overlays_trampoline_lowered:
0x8: {  	[smem:$0x3FAC] =	sst s0  }
0x9: {  	[smem:$0x3FAD] =	sst s1  }
0xa: {  	[smem:$0x3FAE] =	sst s2  }
0xb: {  	[smem:$0x3FAF] =	sst s3  }
0xc: {  	[smem:$0x3FB0] =	sst s4  }
0xd: {  	[smem:$0x3FB1] =	sst s5  }
0xe: {  	[smem:$0x3FB2] =	sst s6  }
0xf: {  	[smem:$0x3FB3] =	sst s7  }
0x10: {  	[smem:$0x3FB4] =	sst s8  }
0x11: {  	[smem:$0x3FB5] =	sst s9;
	s0 =	simm.s32 @!p0 $0x0  }
0x12: {  	s1 =	sld [smem:$0x3F9B];
	s0 =	simm.s32 @p0 $0x1  }
0x13: {  	[smem:$0x3FB6] =	sst s0;
	s0 =	simm.s32 @!p1 $0x0  }
0x14: {  	s2 =	sld [smem:$0x3F9A];
	s0 =	simm.s32 @p1 $0x1  }
0x15: {  	[smem:$0x3FB7] =	sst s0;
	s0 =	simm.s32 @!p2 $0x0  }
0x16: {  	s3 =	sld [smem:$0x3FDB];
	s0 =	simm.s32 @p2 $0x1  }
0x17: {  	s4 =	simm.s32 $0x1BF5;
	[smem:$0x3FB9] =	sst s0  }
0x18: {  	s0 =	sld [smem:$0x3F9C];
	_ =	swait.ge [sflag:s4], $0x0  }
0x19: {  	s7 =	sld [smem:$0x3F9D]  }
0x1a: {  	s8 =	sadd.s32 $0xFFFFE003, lr  }
0x1b: {  	s9 =	sadd.s32 $0xFFFFFEF7, lr;
	s5 =	simm.s32 $0xFFFFFFFF;
	p2 =	slt.u32 s8, $0xFFFFF086  }
0x1c: {  	p1 =	slt.u32 s9, $0xF7A;
	s5 =	simm.s32 @!p2 $0x0  }
0x1d: {  	s5 =	simm.s32 @p1 $0x1;
	p0 =	seq.s32 s7, s2  }
0x1e: {  	s7 =	smul.u32 @!p0 $0xF7A, s2;
	p2 =	seq.s32 @!p0 s5, $0x0  }
0x1f: {  	s9 =	smul.u32 $0xF7A, s1;
	s8 =	simm.s32 @!p0 $0x1BF5;
	p2 =	por !p2, p0  }
0x20: {  	[sflag:s8] =	ssyncset.s32 @!p0 $0xFFFFF086;
	s6 =	sadd.s32 @!p0 s3, s7;
	s7 =	simm.s32 @!p0 $0x108  }
0x21: {  	s3 =	sadd.s32 s3, s9;
	s6 =	sadd.s32 @!p0 $0x88, s6;
	s7 =	simm.s32 @p2 $0x1082  }
0x22: {  	[simem:s7], [sflag:s8] =	dma.local @!p0 [hbm:s6], $0xF7A  }
0x23: {  	s9 =	sor.u32 $0xD0000000, s2;
	s6 =	simm.s32 $0x108;
	_ =	swait.ge @!p0 [sflag:s8], $0x0  }
0x24: {  	s3 =	sadd.s32 $0x88, s3;
	s6 =	simm.s32 @!p1 $0x1082;
	[sflag:s4] =	ssyncset.s32 $0xFFFFF086  }
0x25: {  	[simem:s6], [sflag:s4] =	dma.local [hbm:s3], $0xF7A  }
0x26: {  	[smem:$0x3F9D] =	sst s1;
	(tag) =	ssettag s2;
	_ =	strace s9  }
0x27: {  	s1 =	sld [smem:$0x3FAD]  }
0x28: {  	s2 =	sld [smem:$0x3FAE]  }
0x29: {  	s4 =	sld [smem:$0x3FB0]  }
0x2a: {  	p0 =	seq.s32 s5, $0x0;
	s5 =	sld [smem:$0x3FB1]  }
0x2b: {  	s6 =	sld [smem:$0x3FB2]  }
0x2c: {  	s7 =	sld [smem:$0x3FB3]  }
0x2d: {  	s3 =	simm.s32 $0x108;
	s8 =	sld [smem:$0x3FB4]  }
0x2e: {  	s3 =	simm.s32 @!p0 $0x1082;
	s9 =	sld [smem:$0x3FB5]  }
0x2f: {  	lr =	sadd.s32 s0, s3;
	s0 =	sld [smem:$0x3FAC]  }
0x30: {  	s3 =	sld [smem:$0x3FAF]  }
0x31: {  	[smem:$0x3FB8] =	sst s10  }
0x32: {  	s10 =	sld [smem:$0x3FB6];
	_ =	sdelay $0x3  }
0x33: {  	p0 =	seq.s32 s10, $0x1;
	s10 =	sld [smem:$0x3FB8];
	_ =	sdelay $0x3  }
0x34: {  	[smem:$0x3FB8] =	sst s10  }
0x35: {  	s10 =	sld [smem:$0x3FB7];
	_ =	sdelay $0x3  }
0x36: {  	p1 =	seq.s32 s10, $0x1;
	s10 =	sld [smem:$0x3FB8];
	_ =	sdelay $0x3  }
0x37: {  	[smem:$0x3FB8] =	sst s10  }
0x38: {  	s10 =	sld [smem:$0x3FB9]  }
0x39: {  	_ = 	snop;
	(pc) =	sbr.ind lr, $3  }
0x3a: {  	_ = 	snop  }
0x3b: {  	_ = 	snop  }
0x3c: {  	p2 =	seq.s32 s10, $0x1;
	s10 =	sld [smem:$0x3FB8]  }
0x3d: {  	_ =	shalt  }
0x3e: {  	_ =	shalt  }
0x3f: {  	_ =	shalt  }
0x40: {  	_ =	shalt  }
0x41: {  	_ =	shalt  }
0x42: {  	_ =	shalt  }
0x43: {  	_ =	shalt  }
0x44: {  	_ =	shalt  }
0x45: {  	_ =	shalt  }
0x46: {  	_ =	shalt  }
0x47: {  	_ =	shalt  }
0x48: {  	_ =	shalt  }
0x49: {  	_ =	shalt  }
0x4a: {  	_ =	shalt  }
0x4b: {  	_ =	shalt  }
0x4c: {  	_ =	shalt  }
0x4d: {  	_ =	shalt  }
0x4e: {  	_ =	shalt  }
0x4f: {  	_ =	shalt  }
0x50: {  	_ =	shalt  }
0x51: {  	_ =	shalt  }
0x52: {  	_ =	shalt  }
0x53: {  	_ =	shalt  }
0x54: {  	_ =	shalt  }
0x55: {  	_ =	shalt  }
0x56: {  	_ =	shalt  }
0x57: {  	_ =	shalt  }
0x58: {  	_ =	shalt  }
0x59: {  	_ =	shalt  }
0x5a: {  	_ =	shalt  }
0x5b: {  	_ =	shalt  }
0x5c: {  	_ =	shalt  }
0x5d: {  	_ =	shalt  }
0x5e: {  	_ =	shalt  }
0x5f: {  	_ =	shalt  }
0x60: {  	_ =	shalt  }
0x61: {  	_ =	shalt  }
0x62: {  	_ =	shalt  }
0x63: {  	_ =	shalt  }
0x64: {  	_ =	shalt  }
0x65: {  	_ =	shalt  }
0x66: {  	_ =	shalt  }
0x67: {  	_ =	shalt  }
0x68: {  	_ =	shalt  }
0x69: {  	_ =	shalt  }
0x6a: {  	_ =	shalt  }
0x6b: {  	_ =	shalt  }
0x6c: {  	_ =	shalt  }
0x6d: {  	_ =	shalt  }
0x6e: {  	_ =	shalt  }
0x6f: {  	_ =	shalt  }
0x70: {  	_ =	shalt  }
0x71: {  	_ =	shalt  }
0x72: {  	_ =	shalt  }
0x73: {  	_ =	shalt  }
0x74: {  	_ =	shalt  }
0x75: {  	_ =	shalt  }
0x76: {  	_ =	shalt  }
0x77: {  	_ =	shalt  }
0x78: {  	_ =	shalt  }
0x79: {  	_ =	shalt  }
0x7a: {  	_ =	shalt  }
0x7b: {  	_ =	shalt  }
0x7c: {  	_ =	shalt  }
0x7d: {  	_ =	shalt  }
0x7e: {  	_ =	shalt  }
0x7f: {  	_ =	shalt  }
0x80: {  	_ =	shalt  }
0x81: {  	_ =	shalt  }
0x82: {  	_ =	shalt  }
0x83: {  	_ =	shalt  }
0x84: {  	_ =	shalt  }
0x85: {  	_ =	shalt  }
0x86: {  	_ =	shalt  }
0x87: {  	_ =	shalt  }
.Lfunc_end0:
.L_simem_size_0:
called_computation_lowered:
.L_overlay_start_0:
0x88: {  	s2 =	sld [smem:$0x3FD9]  }
0x89: {  	s3 =	sld [smem:$0x3FFE];
	_ =	sdelay $0x1  }
0x8a: {  	s1 =	srdreg.scid  }
0x8b: {  	s0 =	sand.u32 $0x1, s1  }
0x8c: {  	s16 =	sshll.u32 s0, $0xA;
	s2 =	sadd.s32 s3, s2  }
0x8d: {  	s2 =	sadd.s32 s2, s16  }
0x8e: {  	[smem:$0x3FC4] =	sst s2  }
0x8f: {  	_ = 	snop  }
0x90: {  	(tm) =	ssettm $0x1  }
0x91: {  	s17 =	sld [smem:$0x3FFB];
	_ =	sdelay $0x3  }
0x92: {  	_ =	strace s17  }
0x93: {  	s2 =	sld [smem:$0x3FFC];
	_ =	sdelay $0x3  }
0x94: {  	_ =	strace s2  }
0x95: {  	s2 =	sld [smem:$0x3FFD];
	_ =	sdelay $0x3  }
0x96: {  	_ =	strace s2  }
0x97: {  	_ =	strace $0x8FFFFFFF  }
0x98: {  	s18 =	sld [smem:$0x3FDB];
	_ =	sdelay $0x1  }
0x99: {  	s19 =	simm.s32 $_scs_section_size  }
0x9a: {  	s4 =	simm.s32 $_size__tile_overlayer_lowered;
	s5 =	simm.s32 $_tile_overlayer_lowered  }
0x9b: {  	s22 =	simm.s32 $0x1BFF;
	s21 =	sshll.u32 s5, $0x1;
	s2 =	sadd.s32 s19, s18  }
0x9c: {  	s6 =	simm.s32 $0x0;
	s20 =	sshll.u32 s4, $0x1;
	s4 =	sadd.s32 s21, s2  }
0x9d: {  	[timem:s6], [sflag:s22] =	dma.local [hbm:s4], s20  }
0x9e: {  	_ =	swait.ge [sflag:s22], s20  }
0x9f: {  	s3 =	ssub.s32 $0x0, s20;
	[sflag:s22] =	ssyncset.done $0x0  }
0xa0: {  	[sflag:s22] =	ssyncadd.s32 s3;
	_ =	sdelay $0x1  }
0xa1: {  	s23 =	simm.s32 $0x1B8B  }
0xa2: {  	_ =	swait.ge [sflag:s23], $0x1  }
0xa3: {  	[sflag:s23] =	ssyncset.done $0x0  }
0xa4: {  	s25 =	simm.s32 $0x1B8E;
	s24 =	sld [smem:$0x3FFE];
	[sflag:s23] =	ssyncadd.s32 $0xFFFFFFFF  }
0xa5: {  	s26 =	simm.s32 $execute0_lowered;
	[smem:$0x3FD2] =	sst s25  }
0xa6: {  	s4 =	sshll.u32 s26, $0x1;
	_ =	strace $0x80000046;
	[dreg:$0x1] =	wrdreg $0xFFFFFFFF  }
0xa7: {  	s28 =	simm.s32 $_size_execute0_lowered;
	s2 =	sadd.s32 s2, s4;
	[dreg:$0x0] =	wrdreg $0x0  }
0xa8: {  	s4 =	sshll.u32 s28, $0x1;
	[dreg:$0x2] =	wrdreg s2  }
0xa9: {  	[dreg:$0x3] =	wrdreg s4  }
0xaa: {  	[dreg:$0x4] =	wrdreg $0xC0  }
0xab: {  	_ =	task [dreg:s6], $0x5FFFF  }
0xac: {  	[dreg:$0x1] =	wrdreg $0xFFFFFFFF  }
0xad: {  	[dreg:$0x0] =	wrdreg $0x60  }
0xae: {  	[dreg:$0x2] =	wrdreg s24  }
0xaf: {  	[dreg:$0x3] =	wrdreg $0x9  }
0xb0: {  	_ =	task.clear_ibuf [dreg:s6], $0x4FFFF;
	_ =	strace $0x90000046  }
0xb1: {  	s29 =	simm.s32 $0x9;
	_ =	strace $0x80000048  }
0xb2: {  	_ =	swait.ge [sflag:s29], $0x1  }
0xb3: {  	[sflag:s29] =	ssyncadd.s32 $0xFFFFFFFF  }
0xb4: {  	_ =	strace $0x90000048  }
0xb5: {  	_ =	sfence  }
0xb6: {  	s30 =	sld [smem:$0x0];
	_ =	sdelay $0x2  }
0xb7: {  	s31 =	sshll.u32 s1, $0xD;
	s1 =	sshrl.u32 s1, $0x2  }
0xb8: {  	s3 =	sand.u32 $0x4000, s31;
	s1 =	sadd.s32 s1, s30  }
0xb9: {  	s0 =	sor.u32 s3, s0;
	s1 =	sshll.u32 s1, $0x11  }
0xba: {  	s0 =	sor.u32 s1, s0  }
0xbb: {  	s0 =	sadd.s32 $0x8F2B, s0  }
0xbc: {  	[sflag:s0] =	ssyncadd.remote.s32 $0x1  }
0xbd: {  	_ =	sfence.sel $0xFFFF  }
0xbe: {  	[dreg:$0x0] =	wrdreg $0xFFFFFFFF;
	(pc) =	sbr.abs _section_cstart, $3  }
0xbf: {  	[dreg:$0x1] =	wrdreg $0xFFFFFFFF  }
0xc0: {  	_ =	task.clear_ibuf [dreg:s6], $0x2FFFF;
	_ =	strace $0x9FFFFFFF  }
0xc1: {  	(tm) =	ssettm $0x7FFFFFFF  }
tec
execute0_lowered:
.L_overlay_start_1:
0x0: {  	(tag) =	ssettag $0x1  }
0x1: {  	v0 =	vimm.s32 $0xFEDCBA98;
	v1 =	vimm.s32 $0xBA98FEDC  }
0x2: {  	v2 =	vimm.s32 $0x32107654;
	v3 =	vimm.s32 $0x76543210;
	v4 =	vimm.s32 $0xDCFE98BA  }
0x3: {  	v5 =	vimm.s32 $0x54761032;
	vm0 =	vcmask $0x1F1C;
	vm1 =	vcmask $0xF0C  }
0x4: {  	vm2 =	vcmask $0xF08;
	vm3 =	vcmask $0x3F3C;
	v0 =	vunpack.c.l.s4.s8 v0  }
0x5: {  	v1 =	vunpack.c.l.s4.s8 v1;
	v2 =	vunpack.c.l.s4.s8 v2;
	v3 =	vunpack.c.l.s4.s8 v3  }
0x6: {  	v4 =	vunpack.c.l.s4.s8 v4;
	vm0 =	vmor vm1, vm0;
	vm1 =	vcmask $0x2F2C  }
0x7: {  	v5 =	vunpack.c.l.s4.s8 v5;
	vm0 =	vmor vm0, vm1;
	vm1 =	vcmask $0x1F18  }
0x8: {  	v0 =	vunpack.c.0.s8.s32 v0;
	v1 =	vunpack.c.0.s8.s32 v1;
	v2 =	vunpack.c.0.s8.s32 v2  }
0x9: {  	v3 =	vunpack.c.0.s8.s32 v3;
	vm1 =	vmor vm2, vm1;
	vm2 =	vcmask $0x2F28  }
0xa: {  	vm1 =	vmor vm1, vm2;
	v0 =	vand.u32 $0xF, v0;
	v1 =	vcombine.low v2, v1  }
0xb: {  	v2 =	vunpack.c.0.s8.s32 v4;
	v4 =	vunpack.c.0.s8.s32 v5;
	v5 =	vimm.s32 $0xEFCDAB89  }
0xc: {  	s3 =	rddreg [dreg:$0x0];
	v0 =	vcombine.low v0, v3;
	v3 =	vunpack.c.l.s4.s8 v5;
	v5 =	vimm.s32 $0x67452301  }
0xd: {  	s0 =	rddreg [dreg:$0x1];
	s4 =	srdreg.scid;
	vm2 =	vcmask $0x3F38;
	v2 =	vcombine.low v4, v2;
	v4 =	vunpack.c.l.s4.s8 v5  }
0xe: {  	s2 =	simm.s32 $0x0;
	s1 =	stileid.u32;
	s4 =	sand.u32 $0x1, s4;
	vm0 =	vmor vm0, vm3;
	vm3 =	vcmask $0x300;
	vm1 =	vmor vm1, vm2  }
0xf: {  	s7 =	simm.s32 $0x8000;
	s5 =	sshll.u32 s1, $0xD;
	s6 =	sshll.u32 s4, $0xC;
	vm2 =	vcmask $0x1310;
	v3 =	vunpack.c.0.s8.s32 v3;
	v4 =	vunpack.c.0.s8.s32 v4  }
0x10: {  	s8 =	simm.s32 $0x0;
	s4 =	ssub.s32 $0x2, s4;
	s5 =	sor.u32 s6, s5;
	vm2 =	vmor vm3, vm2;
	vm3 =	vcmask $0x2320  }
0x11: {  	[smem:$0x7FF] =	sst s2;
	s31 =	sshrl.u32 s4, $0x1;
	s5 =	sadd.s32 s5, s3;
	vm2 =	vmor vm2, vm3;
	vm3 =	vcmask $0x3330;
	v3 =	vcombine.low v4, v3  }
0x12: {  	_ =	strace $0x80000047;
	s6 =	ssub.s32 s4, s31;
	s3 =	sadd.s32 $0x800, s5;
	v1 =	vand.u32 $0xF, v1;
	vm2 =	vmor vm2, vm3  }
0x13: {  	s4 =	sadd.s32 $0x20800, s5;
	s5 =	smax.u32 s6, $0x1;
	s6 =	simm.s32 $0x1;
	v2 =	vand.u32 $0xF, v2;
	v4 =	vlaneseq.u32;
	v3 =	vand.u32 $0xF, v3  }
.LBB2_1:
0x14: {  	[tilespmem:s2], [sflag:$0x1] =	stream.linear.gather [hbm4b:s3+s2], $0x8000, $0x38;
	[tilespmem:$0x10000] =	vst v63  }
0x15: {  	_ =	swait.ge [sflag:s6], $0x8000  }
0x16: {  	s9 =	simm.s32 $0xFFFFFFF8;
	[sflag:s6] =	ssyncset.done $0x0  }
0x17: {  	s10 =	simm.s32 $0x8200;
	s11 =	simm.s32 $0x200;
	[sflag:s6] =	ssyncadd.s32 $0xFFFF8000  }
.LBB2_2:
0x18: {  	v5 =	vld [tilespmem:s11+$0xFFFFFE00];
	_ =	sdelay $0x4  }
0x19: {  	v6 =	vperm.xlane v5, v0;
	_ =	sdelay $0x1  }
0x1a: {  	v6 =	vmax.f32 v5, v6  }
0x1b: {  	v7 =	vperm.xlane v6, v1;
	_ =	sdelay $0x1  }
0x1c: {  	v6 =	vmax.f32 v6, v7  }
0x1d: {  	v7 =	vperm.xlane v6, v2;
	_ =	sdelay $0x1  }
0x1e: {  	v6 =	vmax.f32 v6, v7  }
0x1f: {  	v7 =	vperm.xlane v6, v3;
	_ =	sdelay $0x1  }
0x20: {  	v6 =	vmax.f32 v6, v7  }
0x21: {  	vm3 =	veq.f32 v5, v6  }
0x22: {  	v7 =	vnsel vm3, $0x10, v4  }
0x23: {  	v8 =	vperm.xlane v7, v0;
	_ =	sdelay $0x1  }
0x24: {  	vm3 =	vlt.s32 v7, v8  }
0x25: {  	v7 =	vsel vm3, v7, v8  }
0x26: {  	v8 =	vperm.xlane v7, v1;
	_ =	sdelay $0x1  }
0x27: {  	vm3 =	vlt.s32 v7, v8  }
0x28: {  	v7 =	vsel vm3, v7, v8  }
0x29: {  	v8 =	vperm.xlane v7, v2;
	_ =	sdelay $0x1  }
0x2a: {  	vm3 =	vlt.s32 v7, v8  }
0x2b: {  	v7 =	vsel vm3, v7, v8  }
0x2c: {  	v8 =	vperm.xlane v7, v3;
	_ =	sdelay $0x1  }
0x2d: {  	vm3 =	vlt.s32 v7, v8  }
0x2e: {  	v7 =	vsel vm3, v7, v8  }
0x2f: {  	vm3 =	veq.s32 v7, v4  }
0x30: {  	v5 =	vsel vm3, $0xFF800000, v5  }
0x31: {  	v18 =	vperm.xlane v5, v0;
	_ =	sdelay $0x1  }
0x32: {  	v8 =	vmax.f32 v5, v18  }
0x33: {  	v9 =	vperm.xlane v8, v1;
	_ =	sdelay $0x1  }
0x34: {  	v8 =	vmax.f32 v8, v9  }
0x35: {  	v9 =	vperm.xlane v8, v2;
	_ =	sdelay $0x1  }
0x36: {  	v8 =	vmax.f32 v8, v9  }
0x37: {  	v9 =	vperm.xlane v8, v3;
	_ =	sdelay $0x1  }
0x38: {  	v8 =	vmax.f32 v8, v9  }
0x39: {  	v6 =	vsub.f32 v8, v6;
	_ =	sdelay $0x1  }
0x3a: {  	v6 =	vmul.f32 $1.442695020e+00, v6;
	_ =	sdelay $0x1  }
0x3b: {  	(erf) = vpow2.f32 v6;
	_ =	sdelay $0x2  }
0x3c: {  	vm3 =	veq.f32 v5, v8  }
0x3d: {  	v5 =	vnsel vm3, $0x10, v4  }
0x3e: {  	v6 =	vperm.xlane v5, v0;
	_ =	sdelay $0x2  }
0x3f: {  	vm3 =	vlt.s32 v5, v6  }
0x40: {  	v5 =	vsel vm3, v5, v6;
	v6 =	vpop (erf)  }
0x41: {  	v19 =	vperm.xlane v5, v1;
	v20 =	vadd.f32 $1.000000000e+00, v6;
	_ =	sdelay $0x1  }
0x42: {  	vm3 =	vlt.s32 v5, v19;
	(erf) = vrcp.f32 v20  }
0x43: {  	v5 =	vsel vm3, v5, v19  }
0x44: {  	v8 =	vperm.xlane v5, v2;
	_ =	sdelay $0x1  }
0x45: {  	vm3 =	vlt.s32 v5, v8  }
0x46: {  	v5 =	vsel vm3, v5, v8  }
0x47: {  	v8 =	vperm.xlane v5, v3;
	_ =	sdelay $0x1  }
0x48: {  	vm3 =	vlt.s32 v5, v8  }
0x49: {  	v5 =	vsel vm3, v5, v8;
	v21 =	vpop (erf)  }
0x4a: {  	v5 =	vcvt.s32.f32 v5;
	v6 =	vmul.f32 v21, v6;
	_ =	sdelay $0x1  }
0x4b: {  	v7 =	vcvt.s32.f32 v7;
	v5 =	vsel vm0, v6, v5  }
0x4c: {  	v5 =	vsel vm1, v5, v21  }
0x4d: {  	v5 =	vsel vm2, v7, v5  }
0x4e: {  	[tilespmem:s10+$0xFFFFFE00] =	vst v5  }
0x4f: {  	v5 =	vld [tilespmem:s11+$0xFFFFFE80];
	_ =	sdelay $0x4  }
0x50: {  	v6 =	vperm.xlane v5, v0;
	_ =	sdelay $0x1  }
0x51: {  	v6 =	vmax.f32 v5, v6  }
0x52: {  	v7 =	vperm.xlane v6, v1;
	_ =	sdelay $0x1  }
0x53: {  	v6 =	vmax.f32 v6, v7  }
0x54: {  	v7 =	vperm.xlane v6, v2;
	_ =	sdelay $0x1  }
0x55: {  	v6 =	vmax.f32 v6, v7  }
0x56: {  	v7 =	vperm.xlane v6, v3;
	_ =	sdelay $0x1  }
0x57: {  	v6 =	vmax.f32 v6, v7  }
0x58: {  	vm3 =	veq.f32 v5, v6  }
0x59: {  	v7 =	vnsel vm3, $0x10, v4  }
0x5a: {  	v22 =	vperm.xlane v7, v0;
	_ =	sdelay $0x1  }
0x5b: {  	vm3 =	vlt.s32 v7, v22  }
0x5c: {  	v7 =	vsel vm3, v7, v22  }
0x5d: {  	v8 =	vperm.xlane v7, v1;
	_ =	sdelay $0x1  }
0x5e: {  	vm3 =	vlt.s32 v7, v8  }
0x5f: {  	v7 =	vsel vm3, v7, v8  }
0x60: {  	v8 =	vperm.xlane v7, v2;
	_ =	sdelay $0x1  }
0x61: {  	vm3 =	vlt.s32 v7, v8  }
0x62: {  	v7 =	vsel vm3, v7, v8  }
0x63: {  	v8 =	vperm.xlane v7, v3;
	_ =	sdelay $0x1  }
0x64: {  	vm3 =	vlt.s32 v7, v8  }
0x65: {  	v7 =	vsel vm3, v7, v8  }
0x66: {  	vm3 =	veq.s32 v7, v4  }
0x67: {  	v5 =	vsel vm3, $0xFF800000, v5  }
0x68: {  	v23 =	vperm.xlane v5, v0;
	_ =	sdelay $0x1  }
0x69: {  	v8 =	vmax.f32 v5, v23  }
0x6a: {  	v24 =	vperm.xlane v8, v1;
	_ =	sdelay $0x1  }
0x6b: {  	v8 =	vmax.f32 v8, v24  }
0x6c: {  	v9 =	vperm.xlane v8, v2;
	_ =	sdelay $0x1  }
0x6d: {  	v8 =	vmax.f32 v8, v9  }
0x6e: {  	v9 =	vperm.xlane v8, v3;
	_ =	sdelay $0x1  }
0x6f: {  	v8 =	vmax.f32 v8, v9  }
0x70: {  	v6 =	vsub.f32 v8, v6;
	_ =	sdelay $0x1  }
0x71: {  	v6 =	vmul.f32 $1.442695020e+00, v6;
	_ =	sdelay $0x1  }
0x72: {  	(erf) = vpow2.f32 v6;
	_ =	sdelay $0x2  }
0x73: {  	vm3 =	veq.f32 v5, v8  }
0x74: {  	v5 =	vnsel vm3, $0x10, v4  }
0x75: {  	v6 =	vperm.xlane v5, v0;
	_ =	sdelay $0x2  }
0x76: {  	vm3 =	vlt.s32 v5, v6  }
0x77: {  	v5 =	vsel vm3, v5, v6;
	v6 =	vpop (erf)  }
0x78: {  	v25 =	vperm.xlane v5, v1;
	v26 =	vadd.f32 $1.000000000e+00, v6;
	_ =	sdelay $0x1  }
0x79: {  	vm3 =	vlt.s32 v5, v25;
	(erf) = vrcp.f32 v26  }
0x7a: {  	v5 =	vsel vm3, v5, v25  }
0x7b: {  	v8 =	vperm.xlane v5, v2;
	_ =	sdelay $0x1  }
0x7c: {  	vm3 =	vlt.s32 v5, v8  }
0x7d: {  	v5 =	vsel vm3, v5, v8  }
0x7e: {  	v8 =	vperm.xlane v5, v3;
	_ =	sdelay $0x1  }
0x7f: {  	vm3 =	vlt.s32 v5, v8  }
0x80: {  	v5 =	vsel vm3, v5, v8;
	v27 =	vpop (erf)  }
0x81: {  	v5 =	vcvt.s32.f32 v5;
	v6 =	vmul.f32 v27, v6;
	_ =	sdelay $0x1  }
0x82: {  	v7 =	vcvt.s32.f32 v7;
	v5 =	vsel vm0, v6, v5  }
0x83: {  	v5 =	vsel vm1, v5, v27  }
0x84: {  	v5 =	vsel vm2, v7, v5  }
0x85: {  	[tilespmem:s10+$0xFFFFFE80] =	vst v5  }
0x86: {  	v5 =	vld [tilespmem:s11+$0xFFFFFF00];
	_ =	sdelay $0x4  }
0x87: {  	v6 =	vperm.xlane v5, v0;
	_ =	sdelay $0x1  }
0x88: {  	v6 =	vmax.f32 v5, v6  }
0x89: {  	v7 =	vperm.xlane v6, v1;
	_ =	sdelay $0x1  }
0x8a: {  	v6 =	vmax.f32 v6, v7  }
0x8b: {  	v7 =	vperm.xlane v6, v2;
	_ =	sdelay $0x1  }
0x8c: {  	v6 =	vmax.f32 v6, v7  }
0x8d: {  	v7 =	vperm.xlane v6, v3;
	_ =	sdelay $0x1  }
0x8e: {  	v6 =	vmax.f32 v6, v7  }
0x8f: {  	vm3 =	veq.f32 v5, v6  }
0x90: {  	v7 =	vnsel vm3, $0x10, v4  }
0x91: {  	v28 =	vperm.xlane v7, v0;
	_ =	sdelay $0x1  }
0x92: {  	vm3 =	vlt.s32 v7, v28  }
0x93: {  	v7 =	vsel vm3, v7, v28  }
0x94: {  	v8 =	vperm.xlane v7, v1;
	_ =	sdelay $0x1  }
0x95: {  	vm3 =	vlt.s32 v7, v8  }
0x96: {  	v7 =	vsel vm3, v7, v8  }
0x97: {  	v8 =	vperm.xlane v7, v2;
	_ =	sdelay $0x1  }
0x98: {  	vm3 =	vlt.s32 v7, v8  }
0x99: {  	v7 =	vsel vm3, v7, v8  }
0x9a: {  	v8 =	vperm.xlane v7, v3;
	_ =	sdelay $0x1  }
0x9b: {  	vm3 =	vlt.s32 v7, v8  }
0x9c: {  	v7 =	vsel vm3, v7, v8  }
0x9d: {  	vm3 =	veq.s32 v7, v4  }
0x9e: {  	v5 =	vsel vm3, $0xFF800000, v5  }
0x9f: {  	v29 =	vperm.xlane v5, v0;
	_ =	sdelay $0x1  }
0xa0: {  	v8 =	vmax.f32 v5, v29  }
0xa1: {  	v30 =	vperm.xlane v8, v1;
	_ =	sdelay $0x1  }
0xa2: {  	v8 =	vmax.f32 v8, v30  }
0xa3: {  	v9 =	vperm.xlane v8, v2;
	_ =	sdelay $0x1  }
0xa4: {  	v8 =	vmax.f32 v8, v9  }
0xa5: {  	v9 =	vperm.xlane v8, v3;
	_ =	sdelay $0x1  }
0xa6: {  	v8 =	vmax.f32 v8, v9  }
0xa7: {  	v6 =	vsub.f32 v8, v6;
	_ =	sdelay $0x1  }
0xa8: {  	v6 =	vmul.f32 $1.442695020e+00, v6;
	_ =	sdelay $0x1  }
0xa9: {  	(erf) = vpow2.f32 v6;
	_ =	sdelay $0x2  }
0xaa: {  	vm3 =	veq.f32 v5, v8  }
0xab: {  	v5 =	vnsel vm3, $0x10, v4  }
0xac: {  	v6 =	vperm.xlane v5, v0;
	_ =	sdelay $0x2  }
0xad: {  	vm3 =	vlt.s32 v5, v6  }
0xae: {  	v5 =	vsel vm3, v5, v6;
	v6 =	vpop (erf)  }
0xaf: {  	v31 =	vperm.xlane v5, v1;
	v32 =	vadd.f32 $1.000000000e+00, v6;
	_ =	sdelay $0x1  }
0xb0: {  	vm3 =	vlt.s32 v5, v31;
	(erf) = vrcp.f32 v32  }
0xb1: {  	v5 =	vsel vm3, v5, v31  }
0xb2: {  	v8 =	vperm.xlane v5, v2;
	_ =	sdelay $0x1  }
0xb3: {  	vm3 =	vlt.s32 v5, v8  }
0xb4: {  	v5 =	vsel vm3, v5, v8  }
0xb5: {  	v8 =	vperm.xlane v5, v3;
	_ =	sdelay $0x1  }
0xb6: {  	vm3 =	vlt.s32 v5, v8  }
0xb7: {  	v5 =	vsel vm3, v5, v8;
	v33 =	vpop (erf)  }
0xb8: {  	v5 =	vcvt.s32.f32 v5;
	v6 =	vmul.f32 v33, v6;
	_ =	sdelay $0x1  }
0xb9: {  	v7 =	vcvt.s32.f32 v7;
	v5 =	vsel vm0, v6, v5  }
0xba: {  	v5 =	vsel vm1, v5, v33  }
0xbb: {  	v5 =	vsel vm2, v7, v5  }
0xbc: {  	[tilespmem:s10+$0xFFFFFF00] =	vst v5  }
0xbd: {  	v5 =	vld [tilespmem:s11+$0xFFFFFF80];
	_ =	sdelay $0x4  }
0xbe: {  	v6 =	vperm.xlane v5, v0;
	_ =	sdelay $0x1  }
0xbf: {  	v6 =	vmax.f32 v5, v6  }
0xc0: {  	v7 =	vperm.xlane v6, v1;
	_ =	sdelay $0x1  }
0xc1: {  	v6 =	vmax.f32 v6, v7  }
0xc2: {  	v7 =	vperm.xlane v6, v2;
	_ =	sdelay $0x1  }
0xc3: {  	v6 =	vmax.f32 v6, v7  }
0xc4: {  	v7 =	vperm.xlane v6, v3;
	_ =	sdelay $0x1  }
0xc5: {  	v6 =	vmax.f32 v6, v7  }
0xc6: {  	vm3 =	veq.f32 v5, v6  }
0xc7: {  	v7 =	vnsel vm3, $0x10, v4  }
0xc8: {  	v34 =	vperm.xlane v7, v0;
	_ =	sdelay $0x1  }
0xc9: {  	vm3 =	vlt.s32 v7, v34  }
0xca: {  	v7 =	vsel vm3, v7, v34  }
0xcb: {  	v8 =	vperm.xlane v7, v1;
	_ =	sdelay $0x1  }
0xcc: {  	vm3 =	vlt.s32 v7, v8  }
0xcd: {  	v7 =	vsel vm3, v7, v8  }
0xce: {  	v8 =	vperm.xlane v7, v2;
	_ =	sdelay $0x1  }
0xcf: {  	vm3 =	vlt.s32 v7, v8  }
0xd0: {  	v7 =	vsel vm3, v7, v8  }
0xd1: {  	v8 =	vperm.xlane v7, v3;
	_ =	sdelay $0x1  }
0xd2: {  	vm3 =	vlt.s32 v7, v8  }
0xd3: {  	v7 =	vsel vm3, v7, v8  }
0xd4: {  	vm3 =	veq.s32 v7, v4  }
0xd5: {  	v5 =	vsel vm3, $0xFF800000, v5  }
0xd6: {  	v35 =	vperm.xlane v5, v0;
	_ =	sdelay $0x1  }
0xd7: {  	v8 =	vmax.f32 v5, v35  }
0xd8: {  	v36 =	vperm.xlane v8, v1;
	_ =	sdelay $0x1  }
0xd9: {  	v8 =	vmax.f32 v8, v36  }
0xda: {  	v9 =	vperm.xlane v8, v2;
	_ =	sdelay $0x1  }
0xdb: {  	v8 =	vmax.f32 v8, v9  }
0xdc: {  	v9 =	vperm.xlane v8, v3;
	_ =	sdelay $0x1  }
0xdd: {  	v8 =	vmax.f32 v8, v9  }
0xde: {  	v6 =	vsub.f32 v8, v6;
	_ =	sdelay $0x1  }
0xdf: {  	v6 =	vmul.f32 $1.442695020e+00, v6;
	_ =	sdelay $0x1  }
0xe0: {  	(erf) = vpow2.f32 v6;
	_ =	sdelay $0x2  }
0xe1: {  	vm3 =	veq.f32 v5, v8  }
0xe2: {  	v5 =	vnsel vm3, $0x10, v4  }
0xe3: {  	v6 =	vperm.xlane v5, v0;
	_ =	sdelay $0x2  }
0xe4: {  	vm3 =	vlt.s32 v5, v6  }
0xe5: {  	v5 =	vsel vm3, v5, v6;
	v6 =	vpop (erf)  }
0xe6: {  	v37 =	vperm.xlane v5, v1;
	v38 =	vadd.f32 $1.000000000e+00, v6;
	_ =	sdelay $0x1  }
0xe7: {  	vm3 =	vlt.s32 v5, v37;
	(erf) = vrcp.f32 v38  }
0xe8: {  	v5 =	vsel vm3, v5, v37  }
0xe9: {  	v8 =	vperm.xlane v5, v2;
	_ =	sdelay $0x1  }
0xea: {  	vm3 =	vlt.s32 v5, v8  }
0xeb: {  	v5 =	vsel vm3, v5, v8  }
0xec: {  	v8 =	vperm.xlane v5, v3;
	_ =	sdelay $0x1  }
0xed: {  	vm3 =	vlt.s32 v5, v8  }
0xee: {  	v5 =	vsel vm3, v5, v8;
	v39 =	vpop (erf)  }
0xef: {  	v5 =	vcvt.s32.f32 v5;
	v6 =	vmul.f32 v39, v6;
	_ =	sdelay $0x1  }
0xf0: {  	v7 =	vcvt.s32.f32 v7;
	v5 =	vsel vm0, v6, v5  }
0xf1: {  	v5 =	vsel vm1, v5, v39  }
0xf2: {  	v5 =	vsel vm2, v7, v5  }
0xf3: {  	[tilespmem:s10+$0xFFFFFF80] =	vst v5  }
0xf4: {  	v5 =	vld [tilespmem:s11+$0x0];
	_ =	sdelay $0x4  }
0xf5: {  	v6 =	vperm.xlane v5, v0;
	_ =	sdelay $0x1  }
0xf6: {  	v6 =	vmax.f32 v5, v6  }
0xf7: {  	v7 =	vperm.xlane v6, v1;
	_ =	sdelay $0x1  }
0xf8: {  	v6 =	vmax.f32 v6, v7  }
0xf9: {  	v7 =	vperm.xlane v6, v2;
	_ =	sdelay $0x1  }
0xfa: {  	v6 =	vmax.f32 v6, v7  }
0xfb: {  	v7 =	vperm.xlane v6, v3;
	_ =	sdelay $0x1  }
0xfc: {  	v6 =	vmax.f32 v6, v7  }
0xfd: {  	vm3 =	veq.f32 v5, v6  }
0xfe: {  	v7 =	vnsel vm3, $0x10, v4  }
0xff: {  	v40 =	vperm.xlane v7, v0;
	_ =	sdelay $0x1  }
0x100: {  	vm3 =	vlt.s32 v7, v40  }
0x101: {  	v7 =	vsel vm3, v7, v40  }
0x102: {  	v8 =	vperm.xlane v7, v1;
	_ =	sdelay $0x1  }
0x103: {  	vm3 =	vlt.s32 v7, v8  }
0x104: {  	v7 =	vsel vm3, v7, v8  }
0x105: {  	v8 =	vperm.xlane v7, v2;
	_ =	sdelay $0x1  }
0x106: {  	vm3 =	vlt.s32 v7, v8  }
0x107: {  	v7 =	vsel vm3, v7, v8  }
0x108: {  	v8 =	vperm.xlane v7, v3;
	_ =	sdelay $0x1  }
0x109: {  	vm3 =	vlt.s32 v7, v8  }
0x10a: {  	v7 =	vsel vm3, v7, v8  }
0x10b: {  	vm3 =	veq.s32 v7, v4  }
0x10c: {  	v5 =	vsel vm3, $0xFF800000, v5  }
0x10d: {  	v41 =	vperm.xlane v5, v0;
	_ =	sdelay $0x1  }
0x10e: {  	v8 =	vmax.f32 v5, v41  }
0x10f: {  	v42 =	vperm.xlane v8, v1;
	_ =	sdelay $0x1  }
0x110: {  	v8 =	vmax.f32 v8, v42  }
0x111: {  	v9 =	vperm.xlane v8, v2;
	_ =	sdelay $0x1  }
0x112: {  	v8 =	vmax.f32 v8, v9  }
0x113: {  	v9 =	vperm.xlane v8, v3;
	_ =	sdelay $0x1  }
0x114: {  	v8 =	vmax.f32 v8, v9  }
0x115: {  	v6 =	vsub.f32 v8, v6;
	_ =	sdelay $0x1  }
0x116: {  	v6 =	vmul.f32 $1.442695020e+00, v6;
	_ =	sdelay $0x1  }
0x117: {  	(erf) = vpow2.f32 v6;
	_ =	sdelay $0x2  }
0x118: {  	vm3 =	veq.f32 v5, v8  }
0x119: {  	v5 =	vnsel vm3, $0x10, v4  }
0x11a: {  	v6 =	vperm.xlane v5, v0;
	_ =	sdelay $0x2  }
0x11b: {  	vm3 =	vlt.s32 v5, v6  }
0x11c: {  	v5 =	vsel vm3, v5, v6;
	v6 =	vpop (erf)  }
0x11d: {  	v43 =	vperm.xlane v5, v1;
	v44 =	vadd.f32 $1.000000000e+00, v6;
	_ =	sdelay $0x1  }
0x11e: {  	vm3 =	vlt.s32 v5, v43;
	(erf) = vrcp.f32 v44  }
0x11f: {  	v5 =	vsel vm3, v5, v43  }
0x120: {  	v8 =	vperm.xlane v5, v2;
	_ =	sdelay $0x1  }
0x121: {  	vm3 =	vlt.s32 v5, v8  }
0x122: {  	v5 =	vsel vm3, v5, v8  }
0x123: {  	v8 =	vperm.xlane v5, v3;
	_ =	sdelay $0x1  }
0x124: {  	vm3 =	vlt.s32 v5, v8  }
0x125: {  	v5 =	vsel vm3, v5, v8;
	v45 =	vpop (erf)  }
0x126: {  	v5 =	vcvt.s32.f32 v5;
	v6 =	vmul.f32 v45, v6;
	_ =	sdelay $0x1  }
0x127: {  	v7 =	vcvt.s32.f32 v7;
	v5 =	vsel vm0, v6, v5  }
0x128: {  	v5 =	vsel vm1, v5, v45  }
0x129: {  	v5 =	vsel vm2, v7, v5  }
0x12a: {  	[tilespmem:s10+$0x0] =	vst v5  }
0x12b: {  	v5 =	vld [tilespmem:s11+$0x80];
	_ =	sdelay $0x4  }
0x12c: {  	v6 =	vperm.xlane v5, v0;
	_ =	sdelay $0x1  }
0x12d: {  	v6 =	vmax.f32 v5, v6  }
0x12e: {  	v7 =	vperm.xlane v6, v1;
	_ =	sdelay $0x1  }
0x12f: {  	v6 =	vmax.f32 v6, v7  }
0x130: {  	v7 =	vperm.xlane v6, v2;
	_ =	sdelay $0x1  }
0x131: {  	v6 =	vmax.f32 v6, v7  }
0x132: {  	v7 =	vperm.xlane v6, v3;
	_ =	sdelay $0x1  }
0x133: {  	v6 =	vmax.f32 v6, v7  }
0x134: {  	vm3 =	veq.f32 v5, v6  }
0x135: {  	v7 =	vnsel vm3, $0x10, v4  }
0x136: {  	v46 =	vperm.xlane v7, v0;
	_ =	sdelay $0x1  }
0x137: {  	vm3 =	vlt.s32 v7, v46  }
0x138: {  	v7 =	vsel vm3, v7, v46  }
0x139: {  	v8 =	vperm.xlane v7, v1;
	_ =	sdelay $0x1  }
0x13a: {  	vm3 =	vlt.s32 v7, v8  }
0x13b: {  	v7 =	vsel vm3, v7, v8  }
0x13c: {  	v8 =	vperm.xlane v7, v2;
	_ =	sdelay $0x1  }
0x13d: {  	vm3 =	vlt.s32 v7, v8  }
0x13e: {  	v7 =	vsel vm3, v7, v8  }
0x13f: {  	v8 =	vperm.xlane v7, v3;
	_ =	sdelay $0x1  }
0x140: {  	vm3 =	vlt.s32 v7, v8  }
0x141: {  	v7 =	vsel vm3, v7, v8  }
0x142: {  	vm3 =	veq.s32 v7, v4  }
0x143: {  	v5 =	vsel vm3, $0xFF800000, v5  }
0x144: {  	v47 =	vperm.xlane v5, v0;
	_ =	sdelay $0x1  }
0x145: {  	v8 =	vmax.f32 v5, v47  }
0x146: {  	v48 =	vperm.xlane v8, v1;
	_ =	sdelay $0x1  }
0x147: {  	v8 =	vmax.f32 v8, v48  }
0x148: {  	v9 =	vperm.xlane v8, v2;
	_ =	sdelay $0x1  }
0x149: {  	v8 =	vmax.f32 v8, v9  }
0x14a: {  	v9 =	vperm.xlane v8, v3;
	_ =	sdelay $0x1  }
0x14b: {  	v8 =	vmax.f32 v8, v9  }
0x14c: {  	v6 =	vsub.f32 v8, v6;
	_ =	sdelay $0x1  }
0x14d: {  	v6 =	vmul.f32 $1.442695020e+00, v6;
	_ =	sdelay $0x1  }
0x14e: {  	(erf) = vpow2.f32 v6;
	_ =	sdelay $0x2  }
0x14f: {  	vm3 =	veq.f32 v5, v8  }
0x150: {  	v5 =	vnsel vm3, $0x10, v4  }
0x151: {  	v6 =	vperm.xlane v5, v0;
	_ =	sdelay $0x2  }
0x152: {  	vm3 =	vlt.s32 v5, v6  }
0x153: {  	v5 =	vsel vm3, v5, v6;
	v6 =	vpop (erf)  }
0x154: {  	v49 =	vperm.xlane v5, v1;
	v50 =	vadd.f32 $1.000000000e+00, v6;
	_ =	sdelay $0x1  }
0x155: {  	vm3 =	vlt.s32 v5, v49;
	(erf) = vrcp.f32 v50  }
0x156: {  	v5 =	vsel vm3, v5, v49  }
0x157: {  	v8 =	vperm.xlane v5, v2;
	_ =	sdelay $0x1  }
0x158: {  	vm3 =	vlt.s32 v5, v8  }
0x159: {  	v5 =	vsel vm3, v5, v8  }
0x15a: {  	v8 =	vperm.xlane v5, v3;
	_ =	sdelay $0x1  }
0x15b: {  	vm3 =	vlt.s32 v5, v8  }
0x15c: {  	v5 =	vsel vm3, v5, v8;
	v51 =	vpop (erf)  }
0x15d: {  	v5 =	vcvt.s32.f32 v5;
	v6 =	vmul.f32 v51, v6;
	_ =	sdelay $0x1  }
0x15e: {  	v7 =	vcvt.s32.f32 v7;
	v5 =	vsel vm0, v6, v5  }
0x15f: {  	v5 =	vsel vm1, v5, v51  }
0x160: {  	v5 =	vsel vm2, v7, v5  }
0x161: {  	[tilespmem:s10+$0x80] =	vst v5  }
0x162: {  	v5 =	vld [tilespmem:s11+$0x100];
	_ =	sdelay $0x4  }
0x163: {  	v6 =	vperm.xlane v5, v0;
	_ =	sdelay $0x1  }
0x164: {  	v6 =	vmax.f32 v5, v6  }
0x165: {  	v7 =	vperm.xlane v6, v1;
	_ =	sdelay $0x1  }
0x166: {  	v6 =	vmax.f32 v6, v7  }
0x167: {  	v7 =	vperm.xlane v6, v2;
	_ =	sdelay $0x1  }
0x168: {  	v6 =	vmax.f32 v6, v7  }
0x169: {  	v7 =	vperm.xlane v6, v3;
	_ =	sdelay $0x1  }
0x16a: {  	v6 =	vmax.f32 v6, v7  }
0x16b: {  	vm3 =	veq.f32 v5, v6  }
0x16c: {  	v7 =	vnsel vm3, $0x10, v4  }
0x16d: {  	v52 =	vperm.xlane v7, v0;
	_ =	sdelay $0x1  }
0x16e: {  	vm3 =	vlt.s32 v7, v52  }
0x16f: {  	v7 =	vsel vm3, v7, v52  }
0x170: {  	v8 =	vperm.xlane v7, v1;
	_ =	sdelay $0x1  }
0x171: {  	vm3 =	vlt.s32 v7, v8  }
0x172: {  	v7 =	vsel vm3, v7, v8  }
0x173: {  	v8 =	vperm.xlane v7, v2;
	_ =	sdelay $0x1  }
0x174: {  	vm3 =	vlt.s32 v7, v8  }
0x175: {  	v7 =	vsel vm3, v7, v8  }
0x176: {  	v8 =	vperm.xlane v7, v3;
	_ =	sdelay $0x1  }
0x177: {  	vm3 =	vlt.s32 v7, v8  }
0x178: {  	v7 =	vsel vm3, v7, v8  }
0x179: {  	vm3 =	veq.s32 v7, v4  }
0x17a: {  	v5 =	vsel vm3, $0xFF800000, v5  }
0x17b: {  	v53 =	vperm.xlane v5, v0;
	_ =	sdelay $0x1  }
0x17c: {  	v8 =	vmax.f32 v5, v53  }
0x17d: {  	v54 =	vperm.xlane v8, v1;
	_ =	sdelay $0x1  }
0x17e: {  	v8 =	vmax.f32 v8, v54  }
0x17f: {  	v9 =	vperm.xlane v8, v2;
	_ =	sdelay $0x1  }
0x180: {  	v8 =	vmax.f32 v8, v9  }
0x181: {  	v9 =	vperm.xlane v8, v3;
	_ =	sdelay $0x1  }
0x182: {  	v8 =	vmax.f32 v8, v9  }
0x183: {  	v6 =	vsub.f32 v8, v6;
	_ =	sdelay $0x1  }
0x184: {  	v6 =	vmul.f32 $1.442695020e+00, v6;
	_ =	sdelay $0x1  }
0x185: {  	(erf) = vpow2.f32 v6;
	_ =	sdelay $0x2  }
0x186: {  	vm3 =	veq.f32 v5, v8  }
0x187: {  	v5 =	vnsel vm3, $0x10, v4  }
0x188: {  	v6 =	vperm.xlane v5, v0;
	_ =	sdelay $0x2  }
0x189: {  	vm3 =	vlt.s32 v5, v6  }
0x18a: {  	v5 =	vsel vm3, v5, v6;
	v6 =	vpop (erf)  }
0x18b: {  	v55 =	vperm.xlane v5, v1;
	v56 =	vadd.f32 $1.000000000e+00, v6;
	_ =	sdelay $0x1  }
0x18c: {  	vm3 =	vlt.s32 v5, v55;
	(erf) = vrcp.f32 v56  }
0x18d: {  	v5 =	vsel vm3, v5, v55  }
0x18e: {  	v8 =	vperm.xlane v5, v2;
	_ =	sdelay $0x1  }
0x18f: {  	vm3 =	vlt.s32 v5, v8  }
0x190: {  	v5 =	vsel vm3, v5, v8  }
0x191: {  	v8 =	vperm.xlane v5, v3;
	_ =	sdelay $0x1  }
0x192: {  	vm3 =	vlt.s32 v5, v8  }
0x193: {  	v5 =	vsel vm3, v5, v8;
	v57 =	vpop (erf)  }
0x194: {  	v5 =	vcvt.s32.f32 v5;
	v6 =	vmul.f32 v57, v6;
	_ =	sdelay $0x1  }
0x195: {  	v7 =	vcvt.s32.f32 v7;
	v5 =	vsel vm0, v6, v5  }
0x196: {  	v5 =	vsel vm1, v5, v57  }
0x197: {  	v5 =	vsel vm2, v7, v5  }
0x198: {  	[tilespmem:s10+$0x100] =	vst v5  }
0x199: {  	v5 =	vld [tilespmem:s11+$0x180];
	_ =	sdelay $0x4  }
0x19a: {  	v6 =	vperm.xlane v5, v0;
	_ =	sdelay $0x1  }
0x19b: {  	v6 =	vmax.f32 v5, v6  }
0x19c: {  	v7 =	vperm.xlane v6, v1;
	_ =	sdelay $0x1  }
0x19d: {  	v6 =	vmax.f32 v6, v7  }
0x19e: {  	v7 =	vperm.xlane v6, v2;
	_ =	sdelay $0x1  }
0x19f: {  	v6 =	vmax.f32 v6, v7  }
0x1a0: {  	v7 =	vperm.xlane v6, v3;
	_ =	sdelay $0x1  }
0x1a1: {  	v6 =	vmax.f32 v6, v7  }
0x1a2: {  	vm3 =	veq.f32 v5, v6  }
0x1a3: {  	v7 =	vnsel vm3, $0x10, v4  }
0x1a4: {  	v58 =	vperm.xlane v7, v0;
	_ =	sdelay $0x1  }
0x1a5: {  	vm3 =	vlt.s32 v7, v58  }
0x1a6: {  	v7 =	vsel vm3, v7, v58  }
0x1a7: {  	v8 =	vperm.xlane v7, v1;
	_ =	sdelay $0x1  }
0x1a8: {  	vm3 =	vlt.s32 v7, v8  }
0x1a9: {  	v7 =	vsel vm3, v7, v8  }
0x1aa: {  	v8 =	vperm.xlane v7, v2;
	_ =	sdelay $0x1  }
0x1ab: {  	vm3 =	vlt.s32 v7, v8  }
0x1ac: {  	v7 =	vsel vm3, v7, v8  }
0x1ad: {  	v8 =	vperm.xlane v7, v3;
	_ =	sdelay $0x1  }
0x1ae: {  	vm3 =	vlt.s32 v7, v8  }
0x1af: {  	v7 =	vsel vm3, v7, v8  }
0x1b0: {  	vm3 =	veq.s32 v7, v4  }
0x1b1: {  	v5 =	vsel vm3, $0xFF800000, v5  }
0x1b2: {  	v59 =	vperm.xlane v5, v0;
	_ =	sdelay $0x1  }
0x1b3: {  	v8 =	vmax.f32 v5, v59  }
0x1b4: {  	v60 =	vperm.xlane v8, v1;
	_ =	sdelay $0x1  }
0x1b5: {  	v8 =	vmax.f32 v8, v60  }
0x1b6: {  	v9 =	vperm.xlane v8, v2;
	_ =	sdelay $0x1  }
0x1b7: {  	v8 =	vmax.f32 v8, v9  }
0x1b8: {  	v9 =	vperm.xlane v8, v3;
	_ =	sdelay $0x1  }
0x1b9: {  	v8 =	vmax.f32 v8, v9  }
0x1ba: {  	v6 =	vsub.f32 v8, v6;
	_ =	sdelay $0x1  }
0x1bb: {  	v6 =	vmul.f32 $1.442695020e+00, v6;
	_ =	sdelay $0x1  }
0x1bc: {  	(erf) = vpow2.f32 v6;
	_ =	sdelay $0x2  }
0x1bd: {  	vm3 =	veq.f32 v5, v8  }
0x1be: {  	v5 =	vnsel vm3, $0x10, v4  }
0x1bf: {  	v6 =	vperm.xlane v5, v0;
	_ =	sdelay $0x2  }
0x1c0: {  	vm3 =	vlt.s32 v5, v6  }
0x1c1: {  	v5 =	vsel vm3, v5, v6;
	v6 =	vpop (erf)  }
0x1c2: {  	v61 =	vperm.xlane v5, v1;
	v62 =	vadd.f32 $1.000000000e+00, v6;
	_ =	sdelay $0x1  }
0x1c3: {  	vm3 =	vlt.s32 v5, v61;
	(erf) = vrcp.f32 v62  }
0x1c4: {  	v5 =	vsel vm3, v5, v61  }
0x1c5: {  	v8 =	vperm.xlane v5, v2;
	_ =	sdelay $0x1  }
0x1c6: {  	vm3 =	vlt.s32 v5, v8  }
0x1c7: {  	v5 =	vsel vm3, v5, v8  }
0x1c8: {  	v8 =	vperm.xlane v5, v3;
	_ =	sdelay $0x1  }
0x1c9: {  	vm3 =	vlt.s32 v5, v8  }
0x1ca: {  	s9 =	sadd.s32 $0x8, s9;
	v5 =	vsel vm3, v5, v8;
	v63 =	vpop (erf)  }
0x1cb: {  	p0 =	slt.u32 s9, $0xF8;
	v5 =	vcvt.s32.f32 v5;
	v6 =	vmul.f32 v63, v6  }
.Ltmp0:
0x1cc: {  	_ = 	snop;
	(pc) =	sbr.rel @p0 .LBB2_2-.Ltmp0, $4  }
0x1cd: {  	v7 =	vcvt.s32.f32 v7;
	v5 =	vsel vm0, v6, v5  }
0x1ce: {  	v5 =	vsel vm1, v5, v63  }
0x1cf: {  	v5 =	vsel vm2, v7, v5  }
0x1d0: {  	s11 =	sadd.s32 $0x400, s11;
	[tilespmem:s10+$0x180] =	vst v5;
	s10 =	sadd.s32 $0x400, s10  }
0x1d1: {  	s8 =	sadd.s32 $0x1, s8  }
0x1d2: {  	p0 =	sne.s32 s8, s5  }
.Ltmp1:
0x1d3: {  	_ = 	snop;
	(pc) =	sbr.rel @p0 .LBB2_1-.Ltmp1, $4  }
0x1d4: {  	[hbm4b:s4+s2] =	stream.linear.scatter [tilespmem:s7], [sflag:$0x1], $0x8000, $0x38;
	[tilespmem:$0x10000] =	vst v63  }
0x1d5: {  	_ =	swait.ge [sflag:s6], $0x8000  }
0x1d6: {  	[sflag:s6] =	ssyncset.done $0x0  }
0x1d7: {  	[sflag:s6] =	ssyncadd.s32 $0xFFFF8000  }
0x1d8: {  	_ =	sfence.sel $0x180000  }
0x1d9: {  	[bflag:$0x0] =	sbarrier.arrive $0xFFFF  }
0x1da: {  	p0 =	sne.s32 s1, $0x0;
	_ =	strace $0x90000047  }
0x1db: {  	s0 =	sadd.s32 @!p0 $0x100000, s0;
	[bflag:$0x2] =	sbarrier.arrive $0xFFFF  }
0x1dc: {  	[sflag:s0] =	ssyncadd.tile.s32 @!p0 $0x1;
	_ =	shalt  }
.Lfunc_end2:
_tile_overlayer_lowered:
.L_overlay_start_2:
0x1dd: {  	(tag) =	ssettag $0x2  }
0x1de: {  	s0 =	rddreg [dreg:$0x0];
	s2 =	stileid.u32  }
0x1df: {  	s1 =	rddreg [dreg:$0x1];
	p0 =	sne.s32 s2, $0x0  }
0x1e0: {  	s3 =	rddreg [dreg:$0x2];
	[bflag:$0x3] =	sbarrier.arrive $0xFFFF;
	s2 =	simm.s32 @!p0 $0x1C01  }
0x1e1: {  	[timem:s3], [sflag:s2] =	dma.local @!p0 [hbm:s0], s1  }
0x1e2: {  	s0 =	simm.s32 @!p0 $0x1  }
0x1e3: {  	_ =	swait.ge @!p0 [sflag:s0], s1  }
0x1e4: {  	s1 =	ssub.s32 @!p0 $0x0, s1;
	[sflag:s0] =	ssyncset.done @!p0 $0x0  }
0x1e5: {  	[sflag:s0] =	ssyncadd.s32 @!p0 s1  }
0x1e6: {  	[bflag:$0x3] =	sbarrier.arrive $0xFFFF  }
0x1e7: {  	_ =	shalt  }

</sc_bundles>
